<compile_context>
chip_gen: v7x
topology: tpu7x:2x2x1
jax: 0.10.2.dev20260603
libtpu: 0.0.44.dev20260713+nightly
codegen_flags: <defaults>
</compile_context>

<pallas_src>
import functools

import jax
import jax.numpy as jnp
from jax import lax
from jax.experimental import pallas as pl
from jax.experimental.pallas import tpu as pltpu
from jax.experimental.pallas import tpu_sc as plsc

N = 16384
D = 128
V = 27
NC = 2
NS = 16
NW = NC * NS
B_PER_W = N // NW
CHUNK = 64
NCHUNK = B_PER_W // CHUNK
LANES = 16


def _body(lengths_hbm, table_hbm, out_hbm, len_v, idx_vs, rows_vs, table_sh,
          sems_g, sem_l, sem_o):
    sid = lax.axis_index("s")
    wid = sid * NC + lax.axis_index("c")
    base = wid * B_PER_W

    len_cp = pltpu.async_copy(lengths_hbm.at[pl.ds(base, B_PER_W)], len_v, sem_l)

    @pl.when(sid == 0)
    def _stage_table():
        pltpu.sync_copy(table_hbm, table_sh)

    plsc.subcore_barrier()
    len_cp.wait()

    gathers = []
    outs = []
    for c in range(NCHUNK):
        for k in range(CHUNK // LANES):
            l = len_v[pl.ds(c * CHUNK + k * LANES, LANES)]
            one = jnp.full((LANES,), 1, jnp.int32)
            zero = jnp.full((LANES,), 0, jnp.int32)
            idx = (
                jnp.clip(l, 0, 8)
                + jnp.clip(l - 9, 0, 16)
                + jnp.where(l >= 30, one, zero)
                + jnp.where(l >= 35, one, zero)
            )
            idx_vs[c][pl.ds(k * LANES, LANES)] = idx
        gathers.append(
            pltpu.async_copy(table_sh.at[idx_vs[c]], rows_vs[c], sems_g[c])
        )
        if c >= 1:
            gathers[c - 1].wait()
            outs.append(
                pltpu.async_copy(
                    rows_vs[c - 1],
                    out_hbm.at[pl.ds(base + (c - 1) * CHUNK, CHUNK)],
                    sem_o,
                )
            )
    gathers[NCHUNK - 1].wait()
    outs.append(
        pltpu.async_copy(
            rows_vs[NCHUNK - 1],
            out_hbm.at[pl.ds(base + (NCHUNK - 1) * CHUNK, CHUNK)],
            sem_o,
        )
    )
    for o in outs:
        o.wait()


@functools.partial(jax.jit, donate_argnums=())
def kernel(lengths, table):
    run = pl.kernel(
        _body,
        out_type=jax.ShapeDtypeStruct((N, D), jnp.float32),
        mesh=plsc.VectorSubcoreMesh(core_axis_name="c", subcore_axis_name="s"),
        scratch_types=[
            pltpu.VMEM((B_PER_W,), jnp.int32),
            [pltpu.VMEM((CHUNK,), jnp.int32) for _ in range(NCHUNK)],
            [pltpu.VMEM((CHUNK, D), jnp.float32) for _ in range(NCHUNK)],
            pltpu.VMEM_SHARED((V, D), jnp.float32),
            [pltpu.SemaphoreType.DMA for _ in range(NCHUNK)],
            pltpu.SemaphoreType.DMA,
            pltpu.SemaphoreType.DMA,
        ],
    )
    return run(lengths, table)

# --- scband reference (transcript-rebuilt; emitter-appended) ---
"""Pipeline reference for scband-width-73804718014489 (READ-ONLY COPY).

The authoritative reference and input builder live on the scoring server;
editing this copy changes nothing except your own understanding.
"""

import jax, jax.numpy as jnp
import numpy as np

BINS = jnp.array([1, 2, 3, 4, 5, 6, 7, 8, 10, 11, 12, 13, 14, 15, 16, 17, 18, 19, 20, 21, 22, 23, 24, 25, 30, 35], dtype=jnp.int32)


def setup_inputs(seed: int = 0) -> dict:
    key = jax.random.key(seed)
    k1, k2 = jax.random.split(key)
    lengths = jax.random.randint(k1, (16384,), 0, 40, dtype=jnp.int32)
    # Embedding table: num_embeddings = len(bins) + 1 = 27, embedding_dim = 128
    table = jax.random.normal(k2, (27, 128), dtype=jnp.float32)
    return {"lengths": lengths, "table": table}


def reference(lengths, table):
    # stoi: for each num, count how many bins satisfy num >= bin
    idx = jnp.sum((lengths[:, None] >= BINS[None, :]).astype(jnp.int32), axis=1)
    # embedding lookup (Dropout(0.2) is identity at inference)
    out = jnp.take(table, idx, axis=0)
    return out

if __name__ == "__main__":
    import jax
    _d = setup_inputs()
    print(jax.jit(kernel)(*tuple(_d.values())))

</pallas_src>

<mosaic_0001>
#map = affine_map<(d0, d1) -> (0)>
#map1 = affine_map<(d0, d1) -> (0, 0)>
module attributes {stable_mosaic.version = 14 : i64} {
  func.func @_body(%arg0: i32, %arg1: i32, %arg2: memref<16384xi32, #tpu.memory_space<hbm>>, %arg3: memref<27x128xf32, #tpu.memory_space<hbm>>, %arg4: memref<16384x128xf32, #tpu.memory_space<hbm>>, %arg5: memref<512xi32, #tpu.memory_space<vmem>>, %arg6: memref<64xi32, #tpu.memory_space<vmem>>, %arg7: memref<64xi32, #tpu.memory_space<vmem>>, %arg8: memref<64xi32, #tpu.memory_space<vmem>>, %arg9: memref<64xi32, #tpu.memory_space<vmem>>, %arg10: memref<64xi32, #tpu.memory_space<vmem>>, %arg11: memref<64xi32, #tpu.memory_space<vmem>>, %arg12: memref<64xi32, #tpu.memory_space<vmem>>, %arg13: memref<64xi32, #tpu.memory_space<vmem>>, %arg14: memref<64x128xf32, #tpu.memory_space<vmem>>, %arg15: memref<64x128xf32, #tpu.memory_space<vmem>>, %arg16: memref<64x128xf32, #tpu.memory_space<vmem>>, %arg17: memref<64x128xf32, #tpu.memory_space<vmem>>, %arg18: memref<64x128xf32, #tpu.memory_space<vmem>>, %arg19: memref<64x128xf32, #tpu.memory_space<vmem>>, %arg20: memref<64x128xf32, #tpu.memory_space<vmem>>, %arg21: memref<64x128xf32, #tpu.memory_space<vmem>>, %arg22: memref<27x128xf32, #tpu.memory_space<vmem_shared>>, %arg23: memref<!tpu.dma_semaphore, #tpu.memory_space<semaphore_mem>>, %arg24: memref<!tpu.dma_semaphore, #tpu.memory_space<semaphore_mem>>, %arg25: memref<!tpu.dma_semaphore, #tpu.memory_space<semaphore_mem>>, %arg26: memref<!tpu.dma_semaphore, #tpu.memory_space<semaphore_mem>>, %arg27: memref<!tpu.dma_semaphore, #tpu.memory_space<semaphore_mem>>, %arg28: memref<!tpu.dma_semaphore, #tpu.memory_space<semaphore_mem>>, %arg29: memref<!tpu.dma_semaphore, #tpu.memory_space<semaphore_mem>>, %arg30: memref<!tpu.dma_semaphore, #tpu.memory_space<semaphore_mem>>, %arg31: memref<!tpu.dma_semaphore, #tpu.memory_space<semaphore_mem>>, %arg32: memref<!tpu.dma_semaphore, #tpu.memory_space<semaphore_mem>>) attributes {dimension_semantics = [#tpu.dimension_semantics<core_parallel>, #tpu.dimension_semantics<subcore_parallel>], iteration_bounds = array<i64: 2, 16>, scalar_prefetch = 0 : i64, scratch_operands = 28 : i64, tpu.core_type = #tpu.core_type<sc_vector_subcore>, window_params = [{transform_indices = #map}, {transform_indices = #map1}, {transform_indices = #map1}]} {
    %mul3A = arith.constant 2 : i32
    %mul3A_0 = arith.muli %arg1, %mul3A : i32
    %add3A = arith.addi %mul3A_0, %arg0 : i32
    %mul3A_1 = arith.constant 512 : i32
    %mul3A_2 = arith.muli %add3A, %mul3A_1 : i32
    %dma_start3A = tpu.memref_slice %arg2[%mul3A_2] : memref<16384xi32, #tpu.memory_space<hbm>> -> memref<512xi32, #tpu.memory_space<hbm>>
    %dma_start3A_3 = tpu.memref_slice %arg2[%mul3A_2] : memref<16384xi32, #tpu.memory_space<hbm>> -> memref<512xi32, #tpu.memory_space<hbm>>
    tpu.enqueue_dma source(%dma_start3A_3 : memref<512xi32, #tpu.memory_space<hbm>>) target(%arg5 : memref<512xi32, #tpu.memory_space<vmem>>) target_semaphore(%arg31 : memref<!tpu.dma_semaphore, #tpu.memory_space<semaphore_mem>>)
    %eq3A = arith.constant 0 : i32
    %eq3A_4 = arith.cmpi eq, %arg1, %eq3A : i32
    %convert_element_type3A = arith.extui %eq3A_4 : i1 to i32
    %cond3A = arith.constant 0 : i32
    %cond3A_5 = arith.cmpi ne, %convert_element_type3A, %cond3A : i32
    scf.if %cond3A_5 {
      "tpu.region"() ({
        %run_scoped3A = tpu.sem_alloc : memref<!tpu.dma_semaphore, #tpu.memory_space<semaphore_mem>>
        tpu.enqueue_dma source(%arg3 : memref<27x128xf32, #tpu.memory_space<hbm>>) target(%arg22 : memref<27x128xf32, #tpu.memory_space<vmem_shared>>) target_semaphore(%run_scoped3A : memref<!tpu.dma_semaphore, #tpu.memory_space<semaphore_mem>>)
        tpu.wait_dma2 semaphore(%run_scoped3A : memref<!tpu.dma_semaphore, #tpu.memory_space<semaphore_mem>>) src(%arg3 : memref<27x128xf32, #tpu.memory_space<hbm>>) dst(%arg22 : memref<27x128xf32, #tpu.memory_space<vmem_shared>>)
        tpu.yield
      }) : () -> ()
    } else {
    }
    %barrier3A = arith.constant 0 : index
    tpu.barrier barrier_id(%barrier3A)
    %dma_wait3A = tpu.memref_slice %arg2[%mul3A_2] : memref<16384xi32, #tpu.memory_space<hbm>> -> memref<512xi32, #tpu.memory_space<hbm>>
    %dma_wait3A_6 = tpu.memref_slice %arg2[%mul3A_2] : memref<16384xi32, #tpu.memory_space<hbm>> -> memref<512xi32, #tpu.memory_space<hbm>>
    tpu.wait_dma2 semaphore(%arg31 : memref<!tpu.dma_semaphore, #tpu.memory_space<semaphore_mem>>) src(%dma_wait3A_6 : memref<512xi32, #tpu.memory_space<hbm>>) dst(%arg5 : memref<512xi32, #tpu.memory_space<vmem>>)
    %get3A = arith.constant 0 : index
    %get3A_7 = tpu.vector_load %arg5[%get3A] {strides = array<i32>} : memref<512xi32, #tpu.memory_space<vmem>>, vector<16xi32>,
    %get3A_8 = vector.shape_cast %get3A_7 : vector<16xi32> to vector<16xi32>
    %broadcast_in_dim3A = arith.constant 1 : i32
    %broadcast_in_dim3A_9 = vector.broadcast %broadcast_in_dim3A : i32 to vector<16xi32>
    %broadcast_in_dim3A_10 = arith.constant 0 : i32
    %broadcast_in_dim3A_11 = vector.broadcast %broadcast_in_dim3A_10 : i32 to vector<16xi32>
    %jit3A = arith.constant 0 : i32
    %jit3A_12 = arith.constant 8 : i32
    %max3A = vector.broadcast %jit3A : i32 to vector<16xi32>
    %max3A_13 = arith.maxsi %max3A, %get3A_8 : vector<16xi32>
    %min3A = vector.broadcast %jit3A_12 : i32 to vector<16xi32>
    %min3A_14 = arith.minsi %min3A, %max3A_13 : vector<16xi32>
    %sub3A = arith.constant 9 : i32
    %sub3A_15 = vector.broadcast %sub3A : i32 to vector<16xi32>
    %sub3A_16 = arith.subi %get3A_8, %sub3A_15 : vector<16xi32>
    %jit3A_17 = arith.constant 0 : i32
    %jit3A_18 = arith.constant 16 : i32
    %max3A_19 = vector.broadcast %jit3A_17 : i32 to vector<16xi32>
    %max3A_20 = arith.maxsi %max3A_19, %sub3A_16 : vector<16xi32>
    %min3A_21 = vector.broadcast %jit3A_18 : i32 to vector<16xi32>
    %min3A_22 = arith.minsi %min3A_21, %max3A_20 : vector<16xi32>
    %add3A_23 = arith.addi %min3A_14, %min3A_22 : vector<16xi32>
    %ge3A = arith.constant 30 : i32
    %ge3A_24 = vector.broadcast %ge3A : i32 to vector<16xi32>
    %ge3A_25 = arith.cmpi sge, %get3A_8, %ge3A_24 : vector<16xi32>
    %select_n3A = arith.select %ge3A_25, %broadcast_in_dim3A_9, %broadcast_in_dim3A_11 : vector<16xi1>, vector<16xi32>
    %add3A_26 = arith.addi %add3A_23, %select_n3A : vector<16xi32>
    %ge3A_27 = arith.constant 35 : i32
    %ge3A_28 = vector.broadcast %ge3A_27 : i32 to vector<16xi32>
    %ge3A_29 = arith.cmpi sge, %get3A_8, %ge3A_28 : vector<16xi32>
    %select_n3A_30 = arith.select %ge3A_29, %broadcast_in_dim3A_9, %broadcast_in_dim3A_11 : vector<16xi1>, vector<16xi32>
    %add3A_31 = arith.addi %add3A_26, %select_n3A_30 : vector<16xi32>
    %swap3A = arith.constant 0 : index
    %swap3A_32 = tpu.vector_load %arg6[%swap3A] {strides = array<i32>} : memref<64xi32, #tpu.memory_space<vmem>>, vector<16xi32>,
    %swap3A_33 = vector.shape_cast %swap3A_32 : vector<16xi32> to vector<16xi32>
    %swap3A_34 = vector.shape_cast %add3A_31 : vector<16xi32> to vector<16xi32>
    tpu.vector_store %arg6[%swap3A], %swap3A_34 {strides = array<i32>} : memref<64xi32, #tpu.memory_space<vmem>>, vector<16xi32>,
    %get3A_35 = arith.constant 16 : index
    %get3A_36 = tpu.vector_load %arg5[%get3A_35] {strides = array<i32>} : memref<512xi32, #tpu.memory_space<vmem>>, vector<16xi32>,
    %get3A_37 = vector.shape_cast %get3A_36 : vector<16xi32> to vector<16xi32>
    %broadcast_in_dim3A_38 = arith.constant 1 : i32
    %broadcast_in_dim3A_39 = vector.broadcast %broadcast_in_dim3A_38 : i32 to vector<16xi32>
    %broadcast_in_dim3A_40 = arith.constant 0 : i32
    %broadcast_in_dim3A_41 = vector.broadcast %broadcast_in_dim3A_40 : i32 to vector<16xi32>
    %jit3A_42 = arith.constant 0 : i32
    %jit3A_43 = arith.constant 8 : i32
    %max3A_44 = vector.broadcast %jit3A_42 : i32 to vector<16xi32>
    %max3A_45 = arith.maxsi %max3A_44, %get3A_37 : vector<16xi32>
    %min3A_46 = vector.broadcast %jit3A_43 : i32 to vector<16xi32>
    %min3A_47 = arith.minsi %min3A_46, %max3A_45 : vector<16xi32>
    %sub3A_48 = arith.constant 9 : i32
    %sub3A_49 = vector.broadcast %sub3A_48 : i32 to vector<16xi32>
    %sub3A_50 = arith.subi %get3A_37, %sub3A_49 : vector<16xi32>
    %jit3A_51 = arith.constant 0 : i32
    %jit3A_52 = arith.constant 16 : i32
    %max3A_53 = vector.broadcast %jit3A_51 : i32 to vector<16xi32>
    %max3A_54 = arith.maxsi %max3A_53, %sub3A_50 : vector<16xi32>
    %min3A_55 = vector.broadcast %jit3A_52 : i32 to vector<16xi32>
    %min3A_56 = arith.minsi %min3A_55, %max3A_54 : vector<16xi32>
    %add3A_57 = arith.addi %min3A_47, %min3A_56 : vector<16xi32>
    %ge3A_58 = arith.constant 30 : i32
    %ge3A_59 = vector.broadcast %ge3A_58 : i32 to vector<16xi32>
    %ge3A_60 = arith.cmpi sge, %get3A_37, %ge3A_59 : vector<16xi32>
    %select_n3A_61 = arith.select %ge3A_60, %broadcast_in_dim3A_39, %broadcast_in_dim3A_41 : vector<16xi1>, vector<16xi32>
    %add3A_62 = arith.addi %add3A_57, %select_n3A_61 : vector<16xi32>
    %ge3A_63 = arith.constant 35 : i32
    %ge3A_64 = vector.broadcast %ge3A_63 : i32 to vector<16xi32>
    %ge3A_65 = arith.cmpi sge, %get3A_37, %ge3A_64 : vector<16xi32>
    %select_n3A_66 = arith.select %ge3A_65, %broadcast_in_dim3A_39, %broadcast_in_dim3A_41 : vector<16xi1>, vector<16xi32>
    %add3A_67 = arith.addi %add3A_62, %select_n3A_66 : vector<16xi32>
    %swap3A_68 = arith.constant 16 : index
    %swap3A_69 = tpu.vector_load %arg6[%swap3A_68] {strides = array<i32>} : memref<64xi32, #tpu.memory_space<vmem>>, vector<16xi32>,
    %swap3A_70 = vector.shape_cast %swap3A_69 : vector<16xi32> to vector<16xi32>
    %swap3A_71 = vector.shape_cast %add3A_67 : vector<16xi32> to vector<16xi32>
    tpu.vector_store %arg6[%swap3A_68], %swap3A_71 {strides = array<i32>} : memref<64xi32, #tpu.memory_space<vmem>>, vector<16xi32>,
    %get3A_72 = arith.constant 32 : index
    %get3A_73 = tpu.vector_load %arg5[%get3A_72] {strides = array<i32>} : memref<512xi32, #tpu.memory_space<vmem>>, vector<16xi32>,
    %get3A_74 = vector.shape_cast %get3A_73 : vector<16xi32> to vector<16xi32>
    %broadcast_in_dim3A_75 = arith.constant 1 : i32
    %broadcast_in_dim3A_76 = vector.broadcast %broadcast_in_dim3A_75 : i32 to vector<16xi32>
    %broadcast_in_dim3A_77 = arith.constant 0 : i32
    %broadcast_in_dim3A_78 = vector.broadcast %broadcast_in_dim3A_77 : i32 to vector<16xi32>
    %jit3A_79 = arith.constant 0 : i32
    %jit3A_80 = arith.constant 8 : i32
    %max3A_81 = vector.broadcast %jit3A_79 : i32 to vector<16xi32>
    %max3A_82 = arith.maxsi %max3A_81, %get3A_74 : vector<16xi32>
    %min3A_83 = vector.broadcast %jit3A_80 : i32 to vector<16xi32>
    %min3A_84 = arith.minsi %min3A_83, %max3A_82 : vector<16xi32>
    %sub3A_85 = arith.constant 9 : i32
    %sub3A_86 = vector.broadcast %sub3A_85 : i32 to vector<16xi32>
    %sub3A_87 = arith.subi %get3A_74, %sub3A_86 : vector<16xi32>
    %jit3A_88 = arith.constant 0 : i32
    %jit3A_89 = arith.constant 16 : i32
    %max3A_90 = vector.broadcast %jit3A_88 : i32 to vector<16xi32>
    %max3A_91 = arith.maxsi %max3A_90, %sub3A_87 : vector<16xi32>
    %min3A_92 = vector.broadcast %jit3A_89 : i32 to vector<16xi32>
    %min3A_93 = arith.minsi %min3A_92, %max3A_91 : vector<16xi32>
    %add3A_94 = arith.addi %min3A_84, %min3A_93 : vector<16xi32>
    %ge3A_95 = arith.constant 30 : i32
    %ge3A_96 = vector.broadcast %ge3A_95 : i32 to vector<16xi32>
    %ge3A_97 = arith.cmpi sge, %get3A_74, %ge3A_96 : vector<16xi32>
    %select_n3A_98 = arith.select %ge3A_97, %broadcast_in_dim3A_76, %broadcast_in_dim3A_78 : vector<16xi1>, vector<16xi32>
    %add3A_99 = arith.addi %add3A_94, %select_n3A_98 : vector<16xi32>
    %ge3A_100 = arith.constant 35 : i32
    %ge3A_101 = vector.broadcast %ge3A_100 : i32 to vector<16xi32>
    %ge3A_102 = arith.cmpi sge, %get3A_74, %ge3A_101 : vector<16xi32>
    %select_n3A_103 = arith.select %ge3A_102, %broadcast_in_dim3A_76, %broadcast_in_dim3A_78 : vector<16xi1>, vector<16xi32>
    %add3A_104 = arith.addi %add3A_99, %select_n3A_103 : vector<16xi32>
    %swap3A_105 = arith.constant 32 : index
    %swap3A_106 = tpu.vector_load %arg6[%swap3A_105] {strides = array<i32>} : memref<64xi32, #tpu.memory_space<vmem>>, vector<16xi32>,
    %swap3A_107 = vector.shape_cast %swap3A_106 : vector<16xi32> to vector<16xi32>
    %swap3A_108 = vector.shape_cast %add3A_104 : vector<16xi32> to vector<16xi32>
    tpu.vector_store %arg6[%swap3A_105], %swap3A_108 {strides = array<i32>} : memref<64xi32, #tpu.memory_space<vmem>>, vector<16xi32>,
    %get3A_109 = arith.constant 48 : index
    %get3A_110 = tpu.vector_load %arg5[%get3A_109] {strides = array<i32>} : memref<512xi32, #tpu.memory_space<vmem>>, vector<16xi32>,
    %get3A_111 = vector.shape_cast %get3A_110 : vector<16xi32> to vector<16xi32>
    %broadcast_in_dim3A_112 = arith.constant 1 : i32
    %broadcast_in_dim3A_113 = vector.broadcast %broadcast_in_dim3A_112 : i32 to vector<16xi32>
    %broadcast_in_dim3A_114 = arith.constant 0 : i32
    %broadcast_in_dim3A_115 = vector.broadcast %broadcast_in_dim3A_114 : i32 to vector<16xi32>
    %jit3A_116 = arith.constant 0 : i32
    %jit3A_117 = arith.constant 8 : i32
    %max3A_118 = vector.broadcast %jit3A_116 : i32 to vector<16xi32>
    %max3A_119 = arith.maxsi %max3A_118, %get3A_111 : vector<16xi32>
    %min3A_120 = vector.broadcast %jit3A_117 : i32 to vector<16xi32>
    %min3A_121 = arith.minsi %min3A_120, %max3A_119 : vector<16xi32>
    %sub3A_122 = arith.constant 9 : i32
    %sub3A_123 = vector.broadcast %sub3A_122 : i32 to vector<16xi32>
    %sub3A_124 = arith.subi %get3A_111, %sub3A_123 : vector<16xi32>
    %jit3A_125 = arith.constant 0 : i32
    %jit3A_126 = arith.constant 16 : i32
    %max3A_127 = vector.broadcast %jit3A_125 : i32 to vector<16xi32>
    %max3A_128 = arith.maxsi %max3A_127, %sub3A_124 : vector<16xi32>
    %min3A_129 = vector.broadcast %jit3A_126 : i32 to vector<16xi32>
    %min3A_130 = arith.minsi %min3A_129, %max3A_128 : vector<16xi32>
    %add3A_131 = arith.addi %min3A_121, %min3A_130 : vector<16xi32>
    %ge3A_132 = arith.constant 30 : i32
    %ge3A_133 = vector.broadcast %ge3A_132 : i32 to vector<16xi32>
    %ge3A_134 = arith.cmpi sge, %get3A_111, %ge3A_133 : vector<16xi32>
    %select_n3A_135 = arith.select %ge3A_134, %broadcast_in_dim3A_113, %broadcast_in_dim3A_115 : vector<16xi1>, vector<16xi32>
    %add3A_136 = arith.addi %add3A_131, %select_n3A_135 : vector<16xi32>
    %ge3A_137 = arith.constant 35 : i32
    %ge3A_138 = vector.broadcast %ge3A_137 : i32 to vector<16xi32>
    %ge3A_139 = arith.cmpi sge, %get3A_111, %ge3A_138 : vector<16xi32>
    %select_n3A_140 = arith.select %ge3A_139, %broadcast_in_dim3A_113, %broadcast_in_dim3A_115 : vector<16xi1>, vector<16xi32>
    %add3A_141 = arith.addi %add3A_136, %select_n3A_140 : vector<16xi32>
    %swap3A_142 = arith.constant 48 : index
    %swap3A_143 = tpu.vector_load %arg6[%swap3A_142] {strides = array<i32>} : memref<64xi32, #tpu.memory_space<vmem>>, vector<16xi32>,
    %swap3A_144 = vector.shape_cast %swap3A_143 : vector<16xi32> to vector<16xi32>
    %swap3A_145 = vector.shape_cast %add3A_141 : vector<16xi32> to vector<16xi32>
    tpu.vector_store %arg6[%swap3A_142], %swap3A_145 {strides = array<i32>} : memref<64xi32, #tpu.memory_space<vmem>>, vector<16xi32>,
    %dma_start3A_146 = arith.constant 0 : i32
    %dma_start3A_147 = arith.constant 0 : i32
    %dma_start3A_148 = tpu.memref_slice %arg22[%dma_start3A_146, %dma_start3A_147] : memref<27x128xf32, #tpu.memory_space<vmem_shared>> -> memref<27x128xf32, #tpu.memory_space<vmem_shared>>
    tpu.enqueue_indirect_dma source(%dma_start3A_148 : memref<27x128xf32, #tpu.memory_space<vmem_shared>>) target(%arg14 : memref<64x128xf32, #tpu.memory_space<vmem>>) offsets(%arg6 : memref<64xi32, #tpu.memory_space<vmem>>) semaphore(%arg23 : memref<!tpu.dma_semaphore, #tpu.memory_space<semaphore_mem>>)
    %get3A_149 = arith.constant 64 : index
    %get3A_150 = tpu.vector_load %arg5[%get3A_149] {strides = array<i32>} : memref<512xi32, #tpu.memory_space<vmem>>, vector<16xi32>,
    %get3A_151 = vector.shape_cast %get3A_150 : vector<16xi32> to vector<16xi32>
    %broadcast_in_dim3A_152 = arith.constant 1 : i32
    %broadcast_in_dim3A_153 = vector.broadcast %broadcast_in_dim3A_152 : i32 to vector<16xi32>
    %broadcast_in_dim3A_154 = arith.constant 0 : i32
    %broadcast_in_dim3A_155 = vector.broadcast %broadcast_in_dim3A_154 : i32 to vector<16xi32>
    %jit3A_156 = arith.constant 0 : i32
    %jit3A_157 = arith.constant 8 : i32
    %max3A_158 = vector.broadcast %jit3A_156 : i32 to vector<16xi32>
    %max3A_159 = arith.maxsi %max3A_158, %get3A_151 : vector<16xi32>
    %min3A_160 = vector.broadcast %jit3A_157 : i32 to vector<16xi32>
    %min3A_161 = arith.minsi %min3A_160, %max3A_159 : vector<16xi32>
    %sub3A_162 = arith.constant 9 : i32
    %sub3A_163 = vector.broadcast %sub3A_162 : i32 to vector<16xi32>
    %sub3A_164 = arith.subi %get3A_151, %sub3A_163 : vector<16xi32>
    %jit3A_165 = arith.constant 0 : i32
    %jit3A_166 = arith.constant 16 : i32
    %max3A_167 = vector.broadcast %jit3A_165 : i32 to vector<16xi32>
    %max3A_168 = arith.maxsi %max3A_167, %sub3A_164 : vector<16xi32>
    %min3A_169 = vector.broadcast %jit3A_166 : i32 to vector<16xi32>
    %min3A_170 = arith.minsi %min3A_169, %max3A_168 : vector<16xi32>
    %add3A_171 = arith.addi %min3A_161, %min3A_170 : vector<16xi32>
    %ge3A_172 = arith.constant 30 : i32
    %ge3A_173 = vector.broadcast %ge3A_172 : i32 to vector<16xi32>
    %ge3A_174 = arith.cmpi sge, %get3A_151, %ge3A_173 : vector<16xi32>
    %select_n3A_175 = arith.select %ge3A_174, %broadcast_in_dim3A_153, %broadcast_in_dim3A_155 : vector<16xi1>, vector<16xi32>
    %add3A_176 = arith.addi %add3A_171, %select_n3A_175 : vector<16xi32>
    %ge3A_177 = arith.constant 35 : i32
    %ge3A_178 = vector.broadcast %ge3A_177 : i32 to vector<16xi32>
    %ge3A_179 = arith.cmpi sge, %get3A_151, %ge3A_178 : vector<16xi32>
    %select_n3A_180 = arith.select %ge3A_179, %broadcast_in_dim3A_153, %broadcast_in_dim3A_155 : vector<16xi1>, vector<16xi32>
    %add3A_181 = arith.addi %add3A_176, %select_n3A_180 : vector<16xi32>
    %swap3A_182 = arith.constant 0 : index
    %swap3A_183 = tpu.vector_load %arg7[%swap3A_182] {strides = array<i32>} : memref<64xi32, #tpu.memory_space<vmem>>, vector<16xi32>,
    %swap3A_184 = vector.shape_cast %swap3A_183 : vector<16xi32> to vector<16xi32>
    %swap3A_185 = vector.shape_cast %add3A_181 : vector<16xi32> to vector<16xi32>
    tpu.vector_store %arg7[%swap3A_182], %swap3A_185 {strides = array<i32>} : memref<64xi32, #tpu.memory_space<vmem>>, vector<16xi32>,
    %get3A_186 = arith.constant 80 : index
    %get3A_187 = tpu.vector_load %arg5[%get3A_186] {strides = array<i32>} : memref<512xi32, #tpu.memory_space<vmem>>, vector<16xi32>,
    %get3A_188 = vector.shape_cast %get3A_187 : vector<16xi32> to vector<16xi32>
    %broadcast_in_dim3A_189 = arith.constant 1 : i32
    %broadcast_in_dim3A_190 = vector.broadcast %broadcast_in_dim3A_189 : i32 to vector<16xi32>
    %broadcast_in_dim3A_191 = arith.constant 0 : i32
    %broadcast_in_dim3A_192 = vector.broadcast %broadcast_in_dim3A_191 : i32 to vector<16xi32>
    %jit3A_193 = arith.constant 0 : i32
    %jit3A_194 = arith.constant 8 : i32
    %max3A_195 = vector.broadcast %jit3A_193 : i32 to vector<16xi32>
    %max3A_196 = arith.maxsi %max3A_195, %get3A_188 : vector<16xi32>
    %min3A_197 = vector.broadcast %jit3A_194 : i32 to vector<16xi32>
    %min3A_198 = arith.minsi %min3A_197, %max3A_196 : vector<16xi32>
    %sub3A_199 = arith.constant 9 : i32
    %sub3A_200 = vector.broadcast %sub3A_199 : i32 to vector<16xi32>
    %sub3A_201 = arith.subi %get3A_188, %sub3A_200 : vector<16xi32>
    %jit3A_202 = arith.constant 0 : i32
    %jit3A_203 = arith.constant 16 : i32
    %max3A_204 = vector.broadcast %jit3A_202 : i32 to vector<16xi32>
    %max3A_205 = arith.maxsi %max3A_204, %sub3A_201 : vector<16xi32>
    %min3A_206 = vector.broadcast %jit3A_203 : i32 to vector<16xi32>
    %min3A_207 = arith.minsi %min3A_206, %max3A_205 : vector<16xi32>
    %add3A_208 = arith.addi %min3A_198, %min3A_207 : vector<16xi32>
    %ge3A_209 = arith.constant 30 : i32
    %ge3A_210 = vector.broadcast %ge3A_209 : i32 to vector<16xi32>
    %ge3A_211 = arith.cmpi sge, %get3A_188, %ge3A_210 : vector<16xi32>
    %select_n3A_212 = arith.select %ge3A_211, %broadcast_in_dim3A_190, %broadcast_in_dim3A_192 : vector<16xi1>, vector<16xi32>
    %add3A_213 = arith.addi %add3A_208, %select_n3A_212 : vector<16xi32>
    %ge3A_214 = arith.constant 35 : i32
    %ge3A_215 = vector.broadcast %ge3A_214 : i32 to vector<16xi32>
    %ge3A_216 = arith.cmpi sge, %get3A_188, %ge3A_215 : vector<16xi32>
    %select_n3A_217 = arith.select %ge3A_216, %broadcast_in_dim3A_190, %broadcast_in_dim3A_192 : vector<16xi1>, vector<16xi32>
    %add3A_218 = arith.addi %add3A_213, %select_n3A_217 : vector<16xi32>
    %swap3A_219 = arith.constant 16 : index
    %swap3A_220 = tpu.vector_load %arg7[%swap3A_219] {strides = array<i32>} : memref<64xi32, #tpu.memory_space<vmem>>, vector<16xi32>,
    %swap3A_221 = vector.shape_cast %swap3A_220 : vector<16xi32> to vector<16xi32>
    %swap3A_222 = vector.shape_cast %add3A_218 : vector<16xi32> to vector<16xi32>
    tpu.vector_store %arg7[%swap3A_219], %swap3A_222 {strides = array<i32>} : memref<64xi32, #tpu.memory_space<vmem>>, vector<16xi32>,
    %get3A_223 = arith.constant 96 : index
    %get3A_224 = tpu.vector_load %arg5[%get3A_223] {strides = array<i32>} : memref<512xi32, #tpu.memory_space<vmem>>, vector<16xi32>,
    %get3A_225 = vector.shape_cast %get3A_224 : vector<16xi32> to vector<16xi32>
    %broadcast_in_dim3A_226 = arith.constant 1 : i32
    %broadcast_in_dim3A_227 = vector.broadcast %broadcast_in_dim3A_226 : i32 to vector<16xi32>
    %broadcast_in_dim3A_228 = arith.constant 0 : i32
    %broadcast_in_dim3A_229 = vector.broadcast %broadcast_in_dim3A_228 : i32 to vector<16xi32>
    %jit3A_230 = arith.constant 0 : i32
    %jit3A_231 = arith.constant 8 : i32
    %max3A_232 = vector.broadcast %jit3A_230 : i32 to vector<16xi32>
    %max3A_233 = arith.maxsi %max3A_232, %get3A_225 : vector<16xi32>
    %min3A_234 = vector.broadcast %jit3A_231 : i32 to vector<16xi32>
    %min3A_235 = arith.minsi %min3A_234, %max3A_233 : vector<16xi32>
    %sub3A_236 = arith.constant 9 : i32
    %sub3A_237 = vector.broadcast %sub3A_236 : i32 to vector<16xi32>
    %sub3A_238 = arith.subi %get3A_225, %sub3A_237 : vector<16xi32>
    %jit3A_239 = arith.constant 0 : i32
    %jit3A_240 = arith.constant 16 : i32
    %max3A_241 = vector.broadcast %jit3A_239 : i32 to vector<16xi32>
    %max3A_242 = arith.maxsi %max3A_241, %sub3A_238 : vector<16xi32>
    %min3A_243 = vector.broadcast %jit3A_240 : i32 to vector<16xi32>
    %min3A_244 = arith.minsi %min3A_243, %max3A_242 : vector<16xi32>
    %add3A_245 = arith.addi %min3A_235, %min3A_244 : vector<16xi32>
    %ge3A_246 = arith.constant 30 : i32
    %ge3A_247 = vector.broadcast %ge3A_246 : i32 to vector<16xi32>
    %ge3A_248 = arith.cmpi sge, %get3A_225, %ge3A_247 : vector<16xi32>
    %select_n3A_249 = arith.select %ge3A_248, %broadcast_in_dim3A_227, %broadcast_in_dim3A_229 : vector<16xi1>, vector<16xi32>
    %add3A_250 = arith.addi %add3A_245, %select_n3A_249 : vector<16xi32>
    %ge3A_251 = arith.constant 35 : i32
    %ge3A_252 = vector.broadcast %ge3A_251 : i32 to vector<16xi32>
    %ge3A_253 = arith.cmpi sge, %get3A_225, %ge3A_252 : vector<16xi32>
    %select_n3A_254 = arith.select %ge3A_253, %broadcast_in_dim3A_227, %broadcast_in_dim3A_229 : vector<16xi1>, vector<16xi32>
    %add3A_255 = arith.addi %add3A_250, %select_n3A_254 : vector<16xi32>
    %swap3A_256 = arith.constant 32 : index
    %swap3A_257 = tpu.vector_load %arg7[%swap3A_256] {strides = array<i32>} : memref<64xi32, #tpu.memory_space<vmem>>, vector<16xi32>,
    %swap3A_258 = vector.shape_cast %swap3A_257 : vector<16xi32> to vector<16xi32>
    %swap3A_259 = vector.shape_cast %add3A_255 : vector<16xi32> to vector<16xi32>
    tpu.vector_store %arg7[%swap3A_256], %swap3A_259 {strides = array<i32>} : memref<64xi32, #tpu.memory_space<vmem>>, vector<16xi32>,
    %get3A_260 = arith.constant 112 : index
    %get3A_261 = tpu.vector_load %arg5[%get3A_260] {strides = array<i32>} : memref<512xi32, #tpu.memory_space<vmem>>, vector<16xi32>,
    %get3A_262 = vector.shape_cast %get3A_261 : vector<16xi32> to vector<16xi32>
    %broadcast_in_dim3A_263 = arith.constant 1 : i32
    %broadcast_in_dim3A_264 = vector.broadcast %broadcast_in_dim3A_263 : i32 to vector<16xi32>
    %broadcast_in_dim3A_265 = arith.constant 0 : i32
    %broadcast_in_dim3A_266 = vector.broadcast %broadcast_in_dim3A_265 : i32 to vector<16xi32>
    %jit3A_267 = arith.constant 0 : i32
    %jit3A_268 = arith.constant 8 : i32
    %max3A_269 = vector.broadcast %jit3A_267 : i32 to vector<16xi32>
    %max3A_270 = arith.maxsi %max3A_269, %get3A_262 : vector<16xi32>
    %min3A_271 = vector.broadcast %jit3A_268 : i32 to vector<16xi32>
    %min3A_272 = arith.minsi %min3A_271, %max3A_270 : vector<16xi32>
    %sub3A_273 = arith.constant 9 : i32
    %sub3A_274 = vector.broadcast %sub3A_273 : i32 to vector<16xi32>
    %sub3A_275 = arith.subi %get3A_262, %sub3A_274 : vector<16xi32>
    %jit3A_276 = arith.constant 0 : i32
    %jit3A_277 = arith.constant 16 : i32
    %max3A_278 = vector.broadcast %jit3A_276 : i32 to vector<16xi32>
    %max3A_279 = arith.maxsi %max3A_278, %sub3A_275 : vector<16xi32>
    %min3A_280 = vector.broadcast %jit3A_277 : i32 to vector<16xi32>
    %min3A_281 = arith.minsi %min3A_280, %max3A_279 : vector<16xi32>
    %add3A_282 = arith.addi %min3A_272, %min3A_281 : vector<16xi32>
    %ge3A_283 = arith.constant 30 : i32
    %ge3A_284 = vector.broadcast %ge3A_283 : i32 to vector<16xi32>
    %ge3A_285 = arith.cmpi sge, %get3A_262, %ge3A_284 : vector<16xi32>
    %select_n3A_286 = arith.select %ge3A_285, %broadcast_in_dim3A_264, %broadcast_in_dim3A_266 : vector<16xi1>, vector<16xi32>
    %add3A_287 = arith.addi %add3A_282, %select_n3A_286 : vector<16xi32>
    %ge3A_288 = arith.constant 35 : i32
    %ge3A_289 = vector.broadcast %ge3A_288 : i32 to vector<16xi32>
    %ge3A_290 = arith.cmpi sge, %get3A_262, %ge3A_289 : vector<16xi32>
    %select_n3A_291 = arith.select %ge3A_290, %broadcast_in_dim3A_264, %broadcast_in_dim3A_266 : vector<16xi1>, vector<16xi32>
    %add3A_292 = arith.addi %add3A_287, %select_n3A_291 : vector<16xi32>
    %swap3A_293 = arith.constant 48 : index
    %swap3A_294 = tpu.vector_load %arg7[%swap3A_293] {strides = array<i32>} : memref<64xi32, #tpu.memory_space<vmem>>, vector<16xi32>,
    %swap3A_295 = vector.shape_cast %swap3A_294 : vector<16xi32> to vector<16xi32>
    %swap3A_296 = vector.shape_cast %add3A_292 : vector<16xi32> to vector<16xi32>
    tpu.vector_store %arg7[%swap3A_293], %swap3A_296 {strides = array<i32>} : memref<64xi32, #tpu.memory_space<vmem>>, vector<16xi32>,
    %dma_start3A_297 = arith.constant 0 : i32
    %dma_start3A_298 = arith.constant 0 : i32
    %dma_start3A_299 = tpu.memref_slice %arg22[%dma_start3A_297, %dma_start3A_298] : memref<27x128xf32, #tpu.memory_space<vmem_shared>> -> memref<27x128xf32, #tpu.memory_space<vmem_shared>>
    tpu.enqueue_indirect_dma source(%dma_start3A_299 : memref<27x128xf32, #tpu.memory_space<vmem_shared>>) target(%arg15 : memref<64x128xf32, #tpu.memory_space<vmem>>) offsets(%arg7 : memref<64xi32, #tpu.memory_space<vmem>>) semaphore(%arg24 : memref<!tpu.dma_semaphore, #tpu.memory_space<semaphore_mem>>)
    %dma_wait3A_300 = arith.constant 0 : i32
    %dma_wait3A_301 = arith.constant 0 : i32
    %dma_wait3A_302 = tpu.memref_slice %arg22[%dma_wait3A_300, %dma_wait3A_301] : memref<27x128xf32, #tpu.memory_space<vmem_shared>> -> memref<27x128xf32, #tpu.memory_space<vmem_shared>>
    tpu.wait_indirect_dma semaphore(%arg23 : memref<!tpu.dma_semaphore, #tpu.memory_space<semaphore_mem>>) src(%dma_wait3A_302 : memref<27x128xf32, #tpu.memory_space<vmem_shared>>) dst(%arg14 : memref<64x128xf32, #tpu.memory_space<vmem>>)
    %add3A_303 = arith.constant 0 : i32
    %add3A_304 = arith.addi %mul3A_2, %add3A_303 : i32
    %dma_start3A_305 = arith.constant 0 : i32
    %dma_start3A_306 = tpu.memref_slice %arg4[%add3A_304, %dma_start3A_305] : memref<16384x128xf32, #tpu.memory_space<hbm>> -> memref<64x128xf32, #tpu.memory_space<hbm>>
    %dma_start3A_307 = arith.constant 0 : i32
    %dma_start3A_308 = tpu.memref_slice %arg4[%add3A_304, %dma_start3A_307] : memref<16384x128xf32, #tpu.memory_space<hbm>> -> memref<64x128xf32, #tpu.memory_space<hbm>>
    tpu.enqueue_dma source(%arg14 : memref<64x128xf32, #tpu.memory_space<vmem>>) target(%dma_start3A_308 : memref<64x128xf32, #tpu.memory_space<hbm>>) target_semaphore(%arg32 : memref<!tpu.dma_semaphore, #tpu.memory_space<semaphore_mem>>)
    %get3A_309 = arith.constant 128 : index
    %get3A_310 = tpu.vector_load %arg5[%get3A_309] {strides = array<i32>} : memref<512xi32, #tpu.memory_space<vmem>>, vector<16xi32>,
    %get3A_311 = vector.shape_cast %get3A_310 : vector<16xi32> to vector<16xi32>
    %broadcast_in_dim3A_312 = arith.constant 1 : i32
    %broadcast_in_dim3A_313 = vector.broadcast %broadcast_in_dim3A_312 : i32 to vector<16xi32>
    %broadcast_in_dim3A_314 = arith.constant 0 : i32
    %broadcast_in_dim3A_315 = vector.broadcast %broadcast_in_dim3A_314 : i32 to vector<16xi32>
    %jit3A_316 = arith.constant 0 : i32
    %jit3A_317 = arith.constant 8 : i32
    %max3A_318 = vector.broadcast %jit3A_316 : i32 to vector<16xi32>
    %max3A_319 = arith.maxsi %max3A_318, %get3A_311 : vector<16xi32>
    %min3A_320 = vector.broadcast %jit3A_317 : i32 to vector<16xi32>
    %min3A_321 = arith.minsi %min3A_320, %max3A_319 : vector<16xi32>
    %sub3A_322 = arith.constant 9 : i32
    %sub3A_323 = vector.broadcast %sub3A_322 : i32 to vector<16xi32>
    %sub3A_324 = arith.subi %get3A_311, %sub3A_323 : vector<16xi32>
    %jit3A_325 = arith.constant 0 : i32
    %jit3A_326 = arith.constant 16 : i32
    %max3A_327 = vector.broadcast %jit3A_325 : i32 to vector<16xi32>
    %max3A_328 = arith.maxsi %max3A_327, %sub3A_324 : vector<16xi32>
    %min3A_329 = vector.broadcast %jit3A_326 : i32 to vector<16xi32>
    %min3A_330 = arith.minsi %min3A_329, %max3A_328 : vector<16xi32>
    %add3A_331 = arith.addi %min3A_321, %min3A_330 : vector<16xi32>
    %ge3A_332 = arith.constant 30 : i32
    %ge3A_333 = vector.broadcast %ge3A_332 : i32 to vector<16xi32>
    %ge3A_334 = arith.cmpi sge, %get3A_311, %ge3A_333 : vector<16xi32>
    %select_n3A_335 = arith.select %ge3A_334, %broadcast_in_dim3A_313, %broadcast_in_dim3A_315 : vector<16xi1>, vector<16xi32>
    %add3A_336 = arith.addi %add3A_331, %select_n3A_335 : vector<16xi32>
    %ge3A_337 = arith.constant 35 : i32
    %ge3A_338 = vector.broadcast %ge3A_337 : i32 to vector<16xi32>
    %ge3A_339 = arith.cmpi sge, %get3A_311, %ge3A_338 : vector<16xi32>
    %select_n3A_340 = arith.select %ge3A_339, %broadcast_in_dim3A_313, %broadcast_in_dim3A_315 : vector<16xi1>, vector<16xi32>
    %add3A_341 = arith.addi %add3A_336, %select_n3A_340 : vector<16xi32>
    %swap3A_342 = arith.constant 0 : index
    %swap3A_343 = tpu.vector_load %arg8[%swap3A_342] {strides = array<i32>} : memref<64xi32, #tpu.memory_space<vmem>>, vector<16xi32>,
    %swap3A_344 = vector.shape_cast %swap3A_343 : vector<16xi32> to vector<16xi32>
    %swap3A_345 = vector.shape_cast %add3A_341 : vector<16xi32> to vector<16xi32>
    tpu.vector_store %arg8[%swap3A_342], %swap3A_345 {strides = array<i32>} : memref<64xi32, #tpu.memory_space<vmem>>, vector<16xi32>,
    %get3A_346 = arith.constant 144 : index
    %get3A_347 = tpu.vector_load %arg5[%get3A_346] {strides = array<i32>} : memref<512xi32, #tpu.memory_space<vmem>>, vector<16xi32>,
    %get3A_348 = vector.shape_cast %get3A_347 : vector<16xi32> to vector<16xi32>
    %broadcast_in_dim3A_349 = arith.constant 1 : i32
    %broadcast_in_dim3A_350 = vector.broadcast %broadcast_in_dim3A_349 : i32 to vector<16xi32>
    %broadcast_in_dim3A_351 = arith.constant 0 : i32
    %broadcast_in_dim3A_352 = vector.broadcast %broadcast_in_dim3A_351 : i32 to vector<16xi32>
    %jit3A_353 = arith.constant 0 : i32
    %jit3A_354 = arith.constant 8 : i32
    %max3A_355 = vector.broadcast %jit3A_353 : i32 to vector<16xi32>
    %max3A_356 = arith.maxsi %max3A_355, %get3A_348 : vector<16xi32>
    %min3A_357 = vector.broadcast %jit3A_354 : i32 to vector<16xi32>
    %min3A_358 = arith.minsi %min3A_357, %max3A_356 : vector<16xi32>
    %sub3A_359 = arith.constant 9 : i32
    %sub3A_360 = vector.broadcast %sub3A_359 : i32 to vector<16xi32>
    %sub3A_361 = arith.subi %get3A_348, %sub3A_360 : vector<16xi32>
    %jit3A_362 = arith.constant 0 : i32
    %jit3A_363 = arith.constant 16 : i32
    %max3A_364 = vector.broadcast %jit3A_362 : i32 to vector<16xi32>
    %max3A_365 = arith.maxsi %max3A_364, %sub3A_361 : vector<16xi32>
    %min3A_366 = vector.broadcast %jit3A_363 : i32 to vector<16xi32>
    %min3A_367 = arith.minsi %min3A_366, %max3A_365 : vector<16xi32>
    %add3A_368 = arith.addi %min3A_358, %min3A_367 : vector<16xi32>
    %ge3A_369 = arith.constant 30 : i32
    %ge3A_370 = vector.broadcast %ge3A_369 : i32 to vector<16xi32>
    %ge3A_371 = arith.cmpi sge, %get3A_348, %ge3A_370 : vector<16xi32>
    %select_n3A_372 = arith.select %ge3A_371, %broadcast_in_dim3A_350, %broadcast_in_dim3A_352 : vector<16xi1>, vector<16xi32>
    %add3A_373 = arith.addi %add3A_368, %select_n3A_372 : vector<16xi32>
    %ge3A_374 = arith.constant 35 : i32
    %ge3A_375 = vector.broadcast %ge3A_374 : i32 to vector<16xi32>
    %ge3A_376 = arith.cmpi sge, %get3A_348, %ge3A_375 : vector<16xi32>
    %select_n3A_377 = arith.select %ge3A_376, %broadcast_in_dim3A_350, %broadcast_in_dim3A_352 : vector<16xi1>, vector<16xi32>
    %add3A_378 = arith.addi %add3A_373, %select_n3A_377 : vector<16xi32>
    %swap3A_379 = arith.constant 16 : index
    %swap3A_380 = tpu.vector_load %arg8[%swap3A_379] {strides = array<i32>} : memref<64xi32, #tpu.memory_space<vmem>>, vector<16xi32>,
    %swap3A_381 = vector.shape_cast %swap3A_380 : vector<16xi32> to vector<16xi32>
    %swap3A_382 = vector.shape_cast %add3A_378 : vector<16xi32> to vector<16xi32>
    tpu.vector_store %arg8[%swap3A_379], %swap3A_382 {strides = array<i32>} : memref<64xi32, #tpu.memory_space<vmem>>, vector<16xi32>,
    %get3A_383 = arith.constant 160 : index
    %get3A_384 = tpu.vector_load %arg5[%get3A_383] {strides = array<i32>} : memref<512xi32, #tpu.memory_space<vmem>>, vector<16xi32>,
    %get3A_385 = vector.shape_cast %get3A_384 : vector<16xi32> to vector<16xi32>
    %broadcast_in_dim3A_386 = arith.constant 1 : i32
    %broadcast_in_dim3A_387 = vector.broadcast %broadcast_in_dim3A_386 : i32 to vector<16xi32>
    %broadcast_in_dim3A_388 = arith.constant 0 : i32
    %broadcast_in_dim3A_389 = vector.broadcast %broadcast_in_dim3A_388 : i32 to vector<16xi32>
    %jit3A_390 = arith.constant 0 : i32
    %jit3A_391 = arith.constant 8 : i32
    %max3A_392 = vector.broadcast %jit3A_390 : i32 to vector<16xi32>
    %max3A_393 = arith.maxsi %max3A_392, %get3A_385 : vector<16xi32>
    %min3A_394 = vector.broadcast %jit3A_391 : i32 to vector<16xi32>
    %min3A_395 = arith.minsi %min3A_394, %max3A_393 : vector<16xi32>
    %sub3A_396 = arith.constant 9 : i32
    %sub3A_397 = vector.broadcast %sub3A_396 : i32 to vector<16xi32>
    %sub3A_398 = arith.subi %get3A_385, %sub3A_397 : vector<16xi32>
    %jit3A_399 = arith.constant 0 : i32
    %jit3A_400 = arith.constant 16 : i32
    %max3A_401 = vector.broadcast %jit3A_399 : i32 to vector<16xi32>
    %max3A_402 = arith.maxsi %max3A_401, %sub3A_398 : vector<16xi32>
    %min3A_403 = vector.broadcast %jit3A_400 : i32 to vector<16xi32>
    %min3A_404 = arith.minsi %min3A_403, %max3A_402 : vector<16xi32>
    %add3A_405 = arith.addi %min3A_395, %min3A_404 : vector<16xi32>
    %ge3A_406 = arith.constant 30 : i32
    %ge3A_407 = vector.broadcast %ge3A_406 : i32 to vector<16xi32>
    %ge3A_408 = arith.cmpi sge, %get3A_385, %ge3A_407 : vector<16xi32>
    %select_n3A_409 = arith.select %ge3A_408, %broadcast_in_dim3A_387, %broadcast_in_dim3A_389 : vector<16xi1>, vector<16xi32>
    %add3A_410 = arith.addi %add3A_405, %select_n3A_409 : vector<16xi32>
    %ge3A_411 = arith.constant 35 : i32
    %ge3A_412 = vector.broadcast %ge3A_411 : i32 to vector<16xi32>
    %ge3A_413 = arith.cmpi sge, %get3A_385, %ge3A_412 : vector<16xi32>
    %select_n3A_414 = arith.select %ge3A_413, %broadcast_in_dim3A_387, %broadcast_in_dim3A_389 : vector<16xi1>, vector<16xi32>
    %add3A_415 = arith.addi %add3A_410, %select_n3A_414 : vector<16xi32>
    %swap3A_416 = arith.constant 32 : index
    %swap3A_417 = tpu.vector_load %arg8[%swap3A_416] {strides = array<i32>} : memref<64xi32, #tpu.memory_space<vmem>>, vector<16xi32>,
    %swap3A_418 = vector.shape_cast %swap3A_417 : vector<16xi32> to vector<16xi32>
    %swap3A_419 = vector.shape_cast %add3A_415 : vector<16xi32> to vector<16xi32>
    tpu.vector_store %arg8[%swap3A_416], %swap3A_419 {strides = array<i32>} : memref<64xi32, #tpu.memory_space<vmem>>, vector<16xi32>,
    %get3A_420 = arith.constant 176 : index
    %get3A_421 = tpu.vector_load %arg5[%get3A_420] {strides = array<i32>} : memref<512xi32, #tpu.memory_space<vmem>>, vector<16xi32>,
    %get3A_422 = vector.shape_cast %get3A_421 : vector<16xi32> to vector<16xi32>
    %broadcast_in_dim3A_423 = arith.constant 1 : i32
    %broadcast_in_dim3A_424 = vector.broadcast %broadcast_in_dim3A_423 : i32 to vector<16xi32>
    %broadcast_in_dim3A_425 = arith.constant 0 : i32
    %broadcast_in_dim3A_426 = vector.broadcast %broadcast_in_dim3A_425 : i32 to vector<16xi32>
    %jit3A_427 = arith.constant 0 : i32
    %jit3A_428 = arith.constant 8 : i32
    %max3A_429 = vector.broadcast %jit3A_427 : i32 to vector<16xi32>
    %max3A_430 = arith.maxsi %max3A_429, %get3A_422 : vector<16xi32>
    %min3A_431 = vector.broadcast %jit3A_428 : i32 to vector<16xi32>
    %min3A_432 = arith.minsi %min3A_431, %max3A_430 : vector<16xi32>
    %sub3A_433 = arith.constant 9 : i32
    %sub3A_434 = vector.broadcast %sub3A_433 : i32 to vector<16xi32>
    %sub3A_435 = arith.subi %get3A_422, %sub3A_434 : vector<16xi32>
    %jit3A_436 = arith.constant 0 : i32
    %jit3A_437 = arith.constant 16 : i32
    %max3A_438 = vector.broadcast %jit3A_436 : i32 to vector<16xi32>
    %max3A_439 = arith.maxsi %max3A_438, %sub3A_435 : vector<16xi32>
    %min3A_440 = vector.broadcast %jit3A_437 : i32 to vector<16xi32>
    %min3A_441 = arith.minsi %min3A_440, %max3A_439 : vector<16xi32>
    %add3A_442 = arith.addi %min3A_432, %min3A_441 : vector<16xi32>
    %ge3A_443 = arith.constant 30 : i32
    %ge3A_444 = vector.broadcast %ge3A_443 : i32 to vector<16xi32>
    %ge3A_445 = arith.cmpi sge, %get3A_422, %ge3A_444 : vector<16xi32>
    %select_n3A_446 = arith.select %ge3A_445, %broadcast_in_dim3A_424, %broadcast_in_dim3A_426 : vector<16xi1>, vector<16xi32>
    %add3A_447 = arith.addi %add3A_442, %select_n3A_446 : vector<16xi32>
    %ge3A_448 = arith.constant 35 : i32
    %ge3A_449 = vector.broadcast %ge3A_448 : i32 to vector<16xi32>
    %ge3A_450 = arith.cmpi sge, %get3A_422, %ge3A_449 : vector<16xi32>
    %select_n3A_451 = arith.select %ge3A_450, %broadcast_in_dim3A_424, %broadcast_in_dim3A_426 : vector<16xi1>, vector<16xi32>
    %add3A_452 = arith.addi %add3A_447, %select_n3A_451 : vector<16xi32>
    %swap3A_453 = arith.constant 48 : index
    %swap3A_454 = tpu.vector_load %arg8[%swap3A_453] {strides = array<i32>} : memref<64xi32, #tpu.memory_space<vmem>>, vector<16xi32>,
    %swap3A_455 = vector.shape_cast %swap3A_454 : vector<16xi32> to vector<16xi32>
    %swap3A_456 = vector.shape_cast %add3A_452 : vector<16xi32> to vector<16xi32>
    tpu.vector_store %arg8[%swap3A_453], %swap3A_456 {strides = array<i32>} : memref<64xi32, #tpu.memory_space<vmem>>, vector<16xi32>,
    %dma_start3A_457 = arith.constant 0 : i32
    %dma_start3A_458 = arith.constant 0 : i32
    %dma_start3A_459 = tpu.memref_slice %arg22[%dma_start3A_457, %dma_start3A_458] : memref<27x128xf32, #tpu.memory_space<vmem_shared>> -> memref<27x128xf32, #tpu.memory_space<vmem_shared>>
    tpu.enqueue_indirect_dma source(%dma_start3A_459 : memref<27x128xf32, #tpu.memory_space<vmem_shared>>) target(%arg16 : memref<64x128xf32, #tpu.memory_space<vmem>>) offsets(%arg8 : memref<64xi32, #tpu.memory_space<vmem>>) semaphore(%arg25 : memref<!tpu.dma_semaphore, #tpu.memory_space<semaphore_mem>>)
    %dma_wait3A_460 = arith.constant 0 : i32
    %dma_wait3A_461 = arith.constant 0 : i32
    %dma_wait3A_462 = tpu.memref_slice %arg22[%dma_wait3A_460, %dma_wait3A_461] : memref<27x128xf32, #tpu.memory_space<vmem_shared>> -> memref<27x128xf32, #tpu.memory_space<vmem_shared>>
    tpu.wait_indirect_dma semaphore(%arg24 : memref<!tpu.dma_semaphore, #tpu.memory_space<semaphore_mem>>) src(%dma_wait3A_462 : memref<27x128xf32, #tpu.memory_space<vmem_shared>>) dst(%arg15 : memref<64x128xf32, #tpu.memory_space<vmem>>)
    %add3A_463 = arith.constant 64 : i32
    %add3A_464 = arith.addi %mul3A_2, %add3A_463 : i32
    %dma_start3A_465 = arith.constant 0 : i32
    %dma_start3A_466 = tpu.memref_slice %arg4[%add3A_464, %dma_start3A_465] : memref<16384x128xf32, #tpu.memory_space<hbm>> -> memref<64x128xf32, #tpu.memory_space<hbm>>
    %dma_start3A_467 = arith.constant 0 : i32
    %dma_start3A_468 = tpu.memref_slice %arg4[%add3A_464, %dma_start3A_467] : memref<16384x128xf32, #tpu.memory_space<hbm>> -> memref<64x128xf32, #tpu.memory_space<hbm>>
    tpu.enqueue_dma source(%arg15 : memref<64x128xf32, #tpu.memory_space<vmem>>) target(%dma_start3A_468 : memref<64x128xf32, #tpu.memory_space<hbm>>) target_semaphore(%arg32 : memref<!tpu.dma_semaphore, #tpu.memory_space<semaphore_mem>>)
    %get3A_469 = arith.constant 192 : index
    %get3A_470 = tpu.vector_load %arg5[%get3A_469] {strides = array<i32>} : memref<512xi32, #tpu.memory_space<vmem>>, vector<16xi32>,
    %get3A_471 = vector.shape_cast %get3A_470 : vector<16xi32> to vector<16xi32>
    %broadcast_in_dim3A_472 = arith.constant 1 : i32
    %broadcast_in_dim3A_473 = vector.broadcast %broadcast_in_dim3A_472 : i32 to vector<16xi32>
    %broadcast_in_dim3A_474 = arith.constant 0 : i32
    %broadcast_in_dim3A_475 = vector.broadcast %broadcast_in_dim3A_474 : i32 to vector<16xi32>
    %jit3A_476 = arith.constant 0 : i32
    %jit3A_477 = arith.constant 8 : i32
    %max3A_478 = vector.broadcast %jit3A_476 : i32 to vector<16xi32>
    %max3A_479 = arith.maxsi %max3A_478, %get3A_471 : vector<16xi32>
    %min3A_480 = vector.broadcast %jit3A_477 : i32 to vector<16xi32>
    %min3A_481 = arith.minsi %min3A_480, %max3A_479 : vector<16xi32>
    %sub3A_482 = arith.constant 9 : i32
    %sub3A_483 = vector.broadcast %sub3A_482 : i32 to vector<16xi32>
    %sub3A_484 = arith.subi %get3A_471, %sub3A_483 : vector<16xi32>
    %jit3A_485 = arith.constant 0 : i32
    %jit3A_486 = arith.constant 16 : i32
    %max3A_487 = vector.broadcast %jit3A_485 : i32 to vector<16xi32>
    %max3A_488 = arith.maxsi %max3A_487, %sub3A_484 : vector<16xi32>
    %min3A_489 = vector.broadcast %jit3A_486 : i32 to vector<16xi32>
    %min3A_490 = arith.minsi %min3A_489, %max3A_488 : vector<16xi32>
    %add3A_491 = arith.addi %min3A_481, %min3A_490 : vector<16xi32>
    %ge3A_492 = arith.constant 30 : i32
    %ge3A_493 = vector.broadcast %ge3A_492 : i32 to vector<16xi32>
    %ge3A_494 = arith.cmpi sge, %get3A_471, %ge3A_493 : vector<16xi32>
    %select_n3A_495 = arith.select %ge3A_494, %broadcast_in_dim3A_473, %broadcast_in_dim3A_475 : vector<16xi1>, vector<16xi32>
    %add3A_496 = arith.addi %add3A_491, %select_n3A_495 : vector<16xi32>
    %ge3A_497 = arith.constant 35 : i32
    %ge3A_498 = vector.broadcast %ge3A_497 : i32 to vector<16xi32>
    %ge3A_499 = arith.cmpi sge, %get3A_471, %ge3A_498 : vector<16xi32>
    %select_n3A_500 = arith.select %ge3A_499, %broadcast_in_dim3A_473, %broadcast_in_dim3A_475 : vector<16xi1>, vector<16xi32>
    %add3A_501 = arith.addi %add3A_496, %select_n3A_500 : vector<16xi32>
    %swap3A_502 = arith.constant 0 : index
    %swap3A_503 = tpu.vector_load %arg9[%swap3A_502] {strides = array<i32>} : memref<64xi32, #tpu.memory_space<vmem>>, vector<16xi32>,
    %swap3A_504 = vector.shape_cast %swap3A_503 : vector<16xi32> to vector<16xi32>
    %swap3A_505 = vector.shape_cast %add3A_501 : vector<16xi32> to vector<16xi32>
    tpu.vector_store %arg9[%swap3A_502], %swap3A_505 {strides = array<i32>} : memref<64xi32, #tpu.memory_space<vmem>>, vector<16xi32>,
    %get3A_506 = arith.constant 208 : index
    %get3A_507 = tpu.vector_load %arg5[%get3A_506] {strides = array<i32>} : memref<512xi32, #tpu.memory_space<vmem>>, vector<16xi32>,
    %get3A_508 = vector.shape_cast %get3A_507 : vector<16xi32> to vector<16xi32>
    %broadcast_in_dim3A_509 = arith.constant 1 : i32
    %broadcast_in_dim3A_510 = vector.broadcast %broadcast_in_dim3A_509 : i32 to vector<16xi32>
    %broadcast_in_dim3A_511 = arith.constant 0 : i32
    %broadcast_in_dim3A_512 = vector.broadcast %broadcast_in_dim3A_511 : i32 to vector<16xi32>
    %jit3A_513 = arith.constant 0 : i32
    %jit3A_514 = arith.constant 8 : i32
    %max3A_515 = vector.broadcast %jit3A_513 : i32 to vector<16xi32>
    %max3A_516 = arith.maxsi %max3A_515, %get3A_508 : vector<16xi32>
    %min3A_517 = vector.broadcast %jit3A_514 : i32 to vector<16xi32>
    %min3A_518 = arith.minsi %min3A_517, %max3A_516 : vector<16xi32>
    %sub3A_519 = arith.constant 9 : i32
    %sub3A_520 = vector.broadcast %sub3A_519 : i32 to vector<16xi32>
    %sub3A_521 = arith.subi %get3A_508, %sub3A_520 : vector<16xi32>
    %jit3A_522 = arith.constant 0 : i32
    %jit3A_523 = arith.constant 16 : i32
    %max3A_524 = vector.broadcast %jit3A_522 : i32 to vector<16xi32>
    %max3A_525 = arith.maxsi %max3A_524, %sub3A_521 : vector<16xi32>
    %min3A_526 = vector.broadcast %jit3A_523 : i32 to vector<16xi32>
    %min3A_527 = arith.minsi %min3A_526, %max3A_525 : vector<16xi32>
    %add3A_528 = arith.addi %min3A_518, %min3A_527 : vector<16xi32>
    %ge3A_529 = arith.constant 30 : i32
    %ge3A_530 = vector.broadcast %ge3A_529 : i32 to vector<16xi32>
    %ge3A_531 = arith.cmpi sge, %get3A_508, %ge3A_530 : vector<16xi32>
    %select_n3A_532 = arith.select %ge3A_531, %broadcast_in_dim3A_510, %broadcast_in_dim3A_512 : vector<16xi1>, vector<16xi32>
    %add3A_533 = arith.addi %add3A_528, %select_n3A_532 : vector<16xi32>
    %ge3A_534 = arith.constant 35 : i32
    %ge3A_535 = vector.broadcast %ge3A_534 : i32 to vector<16xi32>
    %ge3A_536 = arith.cmpi sge, %get3A_508, %ge3A_535 : vector<16xi32>
    %select_n3A_537 = arith.select %ge3A_536, %broadcast_in_dim3A_510, %broadcast_in_dim3A_512 : vector<16xi1>, vector<16xi32>
    %add3A_538 = arith.addi %add3A_533, %select_n3A_537 : vector<16xi32>
    %swap3A_539 = arith.constant 16 : index
    %swap3A_540 = tpu.vector_load %arg9[%swap3A_539] {strides = array<i32>} : memref<64xi32, #tpu.memory_space<vmem>>, vector<16xi32>,
    %swap3A_541 = vector.shape_cast %swap3A_540 : vector<16xi32> to vector<16xi32>
    %swap3A_542 = vector.shape_cast %add3A_538 : vector<16xi32> to vector<16xi32>
    tpu.vector_store %arg9[%swap3A_539], %swap3A_542 {strides = array<i32>} : memref<64xi32, #tpu.memory_space<vmem>>, vector<16xi32>,
    %get3A_543 = arith.constant 224 : index
    %get3A_544 = tpu.vector_load %arg5[%get3A_543] {strides = array<i32>} : memref<512xi32, #tpu.memory_space<vmem>>, vector<16xi32>,
    %get3A_545 = vector.shape_cast %get3A_544 : vector<16xi32> to vector<16xi32>
    %broadcast_in_dim3A_546 = arith.constant 1 : i32
    %broadcast_in_dim3A_547 = vector.broadcast %broadcast_in_dim3A_546 : i32 to vector<16xi32>
    %broadcast_in_dim3A_548 = arith.constant 0 : i32
    %broadcast_in_dim3A_549 = vector.broadcast %broadcast_in_dim3A_548 : i32 to vector<16xi32>
    %jit3A_550 = arith.constant 0 : i32
    %jit3A_551 = arith.constant 8 : i32
    %max3A_552 = vector.broadcast %jit3A_550 : i32 to vector<16xi32>
    %max3A_553 = arith.maxsi %max3A_552, %get3A_545 : vector<16xi32>
    %min3A_554 = vector.broadcast %jit3A_551 : i32 to vector<16xi32>
    %min3A_555 = arith.minsi %min3A_554, %max3A_553 : vector<16xi32>
    %sub3A_556 = arith.constant 9 : i32
    %sub3A_557 = vector.broadcast %sub3A_556 : i32 to vector<16xi32>
    %sub3A_558 = arith.subi %get3A_545, %sub3A_557 : vector<16xi32>
    %jit3A_559 = arith.constant 0 : i32
    %jit3A_560 = arith.constant 16 : i32
    %max3A_561 = vector.broadcast %jit3A_559 : i32 to vector<16xi32>
    %max3A_562 = arith.maxsi %max3A_561, %sub3A_558 : vector<16xi32>
    %min3A_563 = vector.broadcast %jit3A_560 : i32 to vector<16xi32>
    %min3A_564 = arith.minsi %min3A_563, %max3A_562 : vector<16xi32>
    %add3A_565 = arith.addi %min3A_555, %min3A_564 : vector<16xi32>
    %ge3A_566 = arith.constant 30 : i32
    %ge3A_567 = vector.broadcast %ge3A_566 : i32 to vector<16xi32>
    %ge3A_568 = arith.cmpi sge, %get3A_545, %ge3A_567 : vector<16xi32>
    %select_n3A_569 = arith.select %ge3A_568, %broadcast_in_dim3A_547, %broadcast_in_dim3A_549 : vector<16xi1>, vector<16xi32>
    %add3A_570 = arith.addi %add3A_565, %select_n3A_569 : vector<16xi32>
    %ge3A_571 = arith.constant 35 : i32
    %ge3A_572 = vector.broadcast %ge3A_571 : i32 to vector<16xi32>
    %ge3A_573 = arith.cmpi sge, %get3A_545, %ge3A_572 : vector<16xi32>
    %select_n3A_574 = arith.select %ge3A_573, %broadcast_in_dim3A_547, %broadcast_in_dim3A_549 : vector<16xi1>, vector<16xi32>
    %add3A_575 = arith.addi %add3A_570, %select_n3A_574 : vector<16xi32>
    %swap3A_576 = arith.constant 32 : index
    %swap3A_577 = tpu.vector_load %arg9[%swap3A_576] {strides = array<i32>} : memref<64xi32, #tpu.memory_space<vmem>>, vector<16xi32>,
    %swap3A_578 = vector.shape_cast %swap3A_577 : vector<16xi32> to vector<16xi32>
    %swap3A_579 = vector.shape_cast %add3A_575 : vector<16xi32> to vector<16xi32>
    tpu.vector_store %arg9[%swap3A_576], %swap3A_579 {strides = array<i32>} : memref<64xi32, #tpu.memory_space<vmem>>, vector<16xi32>,
    %get3A_580 = arith.constant 240 : index
    %get3A_581 = tpu.vector_load %arg5[%get3A_580] {strides = array<i32>} : memref<512xi32, #tpu.memory_space<vmem>>, vector<16xi32>,
    %get3A_582 = vector.shape_cast %get3A_581 : vector<16xi32> to vector<16xi32>
    %broadcast_in_dim3A_583 = arith.constant 1 : i32
    %broadcast_in_dim3A_584 = vector.broadcast %broadcast_in_dim3A_583 : i32 to vector<16xi32>
    %broadcast_in_dim3A_585 = arith.constant 0 : i32
    %broadcast_in_dim3A_586 = vector.broadcast %broadcast_in_dim3A_585 : i32 to vector<16xi32>
    %jit3A_587 = arith.constant 0 : i32
    %jit3A_588 = arith.constant 8 : i32
    %max3A_589 = vector.broadcast %jit3A_587 : i32 to vector<16xi32>
    %max3A_590 = arith.maxsi %max3A_589, %get3A_582 : vector<16xi32>
    %min3A_591 = vector.broadcast %jit3A_588 : i32 to vector<16xi32>
    %min3A_592 = arith.minsi %min3A_591, %max3A_590 : vector<16xi32>
    %sub3A_593 = arith.constant 9 : i32
    %sub3A_594 = vector.broadcast %sub3A_593 : i32 to vector<16xi32>
    %sub3A_595 = arith.subi %get3A_582, %sub3A_594 : vector<16xi32>
    %jit3A_596 = arith.constant 0 : i32
    %jit3A_597 = arith.constant 16 : i32
    %max3A_598 = vector.broadcast %jit3A_596 : i32 to vector<16xi32>
    %max3A_599 = arith.maxsi %max3A_598, %sub3A_595 : vector<16xi32>
    %min3A_600 = vector.broadcast %jit3A_597 : i32 to vector<16xi32>
    %min3A_601 = arith.minsi %min3A_600, %max3A_599 : vector<16xi32>
    %add3A_602 = arith.addi %min3A_592, %min3A_601 : vector<16xi32>
    %ge3A_603 = arith.constant 30 : i32
    %ge3A_604 = vector.broadcast %ge3A_603 : i32 to vector<16xi32>
    %ge3A_605 = arith.cmpi sge, %get3A_582, %ge3A_604 : vector<16xi32>
    %select_n3A_606 = arith.select %ge3A_605, %broadcast_in_dim3A_584, %broadcast_in_dim3A_586 : vector<16xi1>, vector<16xi32>
    %add3A_607 = arith.addi %add3A_602, %select_n3A_606 : vector<16xi32>
    %ge3A_608 = arith.constant 35 : i32
    %ge3A_609 = vector.broadcast %ge3A_608 : i32 to vector<16xi32>
    %ge3A_610 = arith.cmpi sge, %get3A_582, %ge3A_609 : vector<16xi32>
    %select_n3A_611 = arith.select %ge3A_610, %broadcast_in_dim3A_584, %broadcast_in_dim3A_586 : vector<16xi1>, vector<16xi32>
    %add3A_612 = arith.addi %add3A_607, %select_n3A_611 : vector<16xi32>
    %swap3A_613 = arith.constant 48 : index
    %swap3A_614 = tpu.vector_load %arg9[%swap3A_613] {strides = array<i32>} : memref<64xi32, #tpu.memory_space<vmem>>, vector<16xi32>,
    %swap3A_615 = vector.shape_cast %swap3A_614 : vector<16xi32> to vector<16xi32>
    %swap3A_616 = vector.shape_cast %add3A_612 : vector<16xi32> to vector<16xi32>
    tpu.vector_store %arg9[%swap3A_613], %swap3A_616 {strides = array<i32>} : memref<64xi32, #tpu.memory_space<vmem>>, vector<16xi32>,
    %dma_start3A_617 = arith.constant 0 : i32
    %dma_start3A_618 = arith.constant 0 : i32
    %dma_start3A_619 = tpu.memref_slice %arg22[%dma_start3A_617, %dma_start3A_618] : memref<27x128xf32, #tpu.memory_space<vmem_shared>> -> memref<27x128xf32, #tpu.memory_space<vmem_shared>>
    tpu.enqueue_indirect_dma source(%dma_start3A_619 : memref<27x128xf32, #tpu.memory_space<vmem_shared>>) target(%arg17 : memref<64x128xf32, #tpu.memory_space<vmem>>) offsets(%arg9 : memref<64xi32, #tpu.memory_space<vmem>>) semaphore(%arg26 : memref<!tpu.dma_semaphore, #tpu.memory_space<semaphore_mem>>)
    %dma_wait3A_620 = arith.constant 0 : i32
    %dma_wait3A_621 = arith.constant 0 : i32
    %dma_wait3A_622 = tpu.memref_slice %arg22[%dma_wait3A_620, %dma_wait3A_621] : memref<27x128xf32, #tpu.memory_space<vmem_shared>> -> memref<27x128xf32, #tpu.memory_space<vmem_shared>>
    tpu.wait_indirect_dma semaphore(%arg25 : memref<!tpu.dma_semaphore, #tpu.memory_space<semaphore_mem>>) src(%dma_wait3A_622 : memref<27x128xf32, #tpu.memory_space<vmem_shared>>) dst(%arg16 : memref<64x128xf32, #tpu.memory_space<vmem>>)
    %add3A_623 = arith.constant 128 : i32
    %add3A_624 = arith.addi %mul3A_2, %add3A_623 : i32
    %dma_start3A_625 = arith.constant 0 : i32
    %dma_start3A_626 = tpu.memref_slice %arg4[%add3A_624, %dma_start3A_625] : memref<16384x128xf32, #tpu.memory_space<hbm>> -> memref<64x128xf32, #tpu.memory_space<hbm>>
    %dma_start3A_627 = arith.constant 0 : i32
    %dma_start3A_628 = tpu.memref_slice %arg4[%add3A_624, %dma_start3A_627] : memref<16384x128xf32, #tpu.memory_space<hbm>> -> memref<64x128xf32, #tpu.memory_space<hbm>>
    tpu.enqueue_dma source(%arg16 : memref<64x128xf32, #tpu.memory_space<vmem>>) target(%dma_start3A_628 : memref<64x128xf32, #tpu.memory_space<hbm>>) target_semaphore(%arg32 : memref<!tpu.dma_semaphore, #tpu.memory_space<semaphore_mem>>)
    %get3A_629 = arith.constant 256 : index
    %get3A_630 = tpu.vector_load %arg5[%get3A_629] {strides = array<i32>} : memref<512xi32, #tpu.memory_space<vmem>>, vector<16xi32>,
    %get3A_631 = vector.shape_cast %get3A_630 : vector<16xi32> to vector<16xi32>
    %broadcast_in_dim3A_632 = arith.constant 1 : i32
    %broadcast_in_dim3A_633 = vector.broadcast %broadcast_in_dim3A_632 : i32 to vector<16xi32>
    %broadcast_in_dim3A_634 = arith.constant 0 : i32
    %broadcast_in_dim3A_635 = vector.broadcast %broadcast_in_dim3A_634 : i32 to vector<16xi32>
    %jit3A_636 = arith.constant 0 : i32
    %jit3A_637 = arith.constant 8 : i32
    %max3A_638 = vector.broadcast %jit3A_636 : i32 to vector<16xi32>
    %max3A_639 = arith.maxsi %max3A_638, %get3A_631 : vector<16xi32>
    %min3A_640 = vector.broadcast %jit3A_637 : i32 to vector<16xi32>
    %min3A_641 = arith.minsi %min3A_640, %max3A_639 : vector<16xi32>
    %sub3A_642 = arith.constant 9 : i32
    %sub3A_643 = vector.broadcast %sub3A_642 : i32 to vector<16xi32>
    %sub3A_644 = arith.subi %get3A_631, %sub3A_643 : vector<16xi32>
    %jit3A_645 = arith.constant 0 : i32
    %jit3A_646 = arith.constant 16 : i32
    %max3A_647 = vector.broadcast %jit3A_645 : i32 to vector<16xi32>
    %max3A_648 = arith.maxsi %max3A_647, %sub3A_644 : vector<16xi32>
    %min3A_649 = vector.broadcast %jit3A_646 : i32 to vector<16xi32>
    %min3A_650 = arith.minsi %min3A_649, %max3A_648 : vector<16xi32>
    %add3A_651 = arith.addi %min3A_641, %min3A_650 : vector<16xi32>
    %ge3A_652 = arith.constant 30 : i32
    %ge3A_653 = vector.broadcast %ge3A_652 : i32 to vector<16xi32>
    %ge3A_654 = arith.cmpi sge, %get3A_631, %ge3A_653 : vector<16xi32>
    %select_n3A_655 = arith.select %ge3A_654, %broadcast_in_dim3A_633, %broadcast_in_dim3A_635 : vector<16xi1>, vector<16xi32>
    %add3A_656 = arith.addi %add3A_651, %select_n3A_655 : vector<16xi32>
    %ge3A_657 = arith.constant 35 : i32
    %ge3A_658 = vector.broadcast %ge3A_657 : i32 to vector<16xi32>
    %ge3A_659 = arith.cmpi sge, %get3A_631, %ge3A_658 : vector<16xi32>
    %select_n3A_660 = arith.select %ge3A_659, %broadcast_in_dim3A_633, %broadcast_in_dim3A_635 : vector<16xi1>, vector<16xi32>
    %add3A_661 = arith.addi %add3A_656, %select_n3A_660 : vector<16xi32>
    %swap3A_662 = arith.constant 0 : index
    %swap3A_663 = tpu.vector_load %arg10[%swap3A_662] {strides = array<i32>} : memref<64xi32, #tpu.memory_space<vmem>>, vector<16xi32>,
    %swap3A_664 = vector.shape_cast %swap3A_663 : vector<16xi32> to vector<16xi32>
    %swap3A_665 = vector.shape_cast %add3A_661 : vector<16xi32> to vector<16xi32>
    tpu.vector_store %arg10[%swap3A_662], %swap3A_665 {strides = array<i32>} : memref<64xi32, #tpu.memory_space<vmem>>, vector<16xi32>,
    %get3A_666 = arith.constant 272 : index
    %get3A_667 = tpu.vector_load %arg5[%get3A_666] {strides = array<i32>} : memref<512xi32, #tpu.memory_space<vmem>>, vector<16xi32>,
    %get3A_668 = vector.shape_cast %get3A_667 : vector<16xi32> to vector<16xi32>
    %broadcast_in_dim3A_669 = arith.constant 1 : i32
    %broadcast_in_dim3A_670 = vector.broadcast %broadcast_in_dim3A_669 : i32 to vector<16xi32>
    %broadcast_in_dim3A_671 = arith.constant 0 : i32
    %broadcast_in_dim3A_672 = vector.broadcast %broadcast_in_dim3A_671 : i32 to vector<16xi32>
    %jit3A_673 = arith.constant 0 : i32
    %jit3A_674 = arith.constant 8 : i32
    %max3A_675 = vector.broadcast %jit3A_673 : i32 to vector<16xi32>
    %max3A_676 = arith.maxsi %max3A_675, %get3A_668 : vector<16xi32>
    %min3A_677 = vector.broadcast %jit3A_674 : i32 to vector<16xi32>
    %min3A_678 = arith.minsi %min3A_677, %max3A_676 : vector<16xi32>
    %sub3A_679 = arith.constant 9 : i32
    %sub3A_680 = vector.broadcast %sub3A_679 : i32 to vector<16xi32>
    %sub3A_681 = arith.subi %get3A_668, %sub3A_680 : vector<16xi32>
    %jit3A_682 = arith.constant 0 : i32
    %jit3A_683 = arith.constant 16 : i32
    %max3A_684 = vector.broadcast %jit3A_682 : i32 to vector<16xi32>
    %max3A_685 = arith.maxsi %max3A_684, %sub3A_681 : vector<16xi32>
    %min3A_686 = vector.broadcast %jit3A_683 : i32 to vector<16xi32>
    %min3A_687 = arith.minsi %min3A_686, %max3A_685 : vector<16xi32>
    %add3A_688 = arith.addi %min3A_678, %min3A_687 : vector<16xi32>
    %ge3A_689 = arith.constant 30 : i32
    %ge3A_690 = vector.broadcast %ge3A_689 : i32 to vector<16xi32>
    %ge3A_691 = arith.cmpi sge, %get3A_668, %ge3A_690 : vector<16xi32>
    %select_n3A_692 = arith.select %ge3A_691, %broadcast_in_dim3A_670, %broadcast_in_dim3A_672 : vector<16xi1>, vector<16xi32>
    %add3A_693 = arith.addi %add3A_688, %select_n3A_692 : vector<16xi32>
    %ge3A_694 = arith.constant 35 : i32
    %ge3A_695 = vector.broadcast %ge3A_694 : i32 to vector<16xi32>
    %ge3A_696 = arith.cmpi sge, %get3A_668, %ge3A_695 : vector<16xi32>
    %select_n3A_697 = arith.select %ge3A_696, %broadcast_in_dim3A_670, %broadcast_in_dim3A_672 : vector<16xi1>, vector<16xi32>
    %add3A_698 = arith.addi %add3A_693, %select_n3A_697 : vector<16xi32>
    %swap3A_699 = arith.constant 16 : index
    %swap3A_700 = tpu.vector_load %arg10[%swap3A_699] {strides = array<i32>} : memref<64xi32, #tpu.memory_space<vmem>>, vector<16xi32>,
    %swap3A_701 = vector.shape_cast %swap3A_700 : vector<16xi32> to vector<16xi32>
    %swap3A_702 = vector.shape_cast %add3A_698 : vector<16xi32> to vector<16xi32>
    tpu.vector_store %arg10[%swap3A_699], %swap3A_702 {strides = array<i32>} : memref<64xi32, #tpu.memory_space<vmem>>, vector<16xi32>,
    %get3A_703 = arith.constant 288 : index
    %get3A_704 = tpu.vector_load %arg5[%get3A_703] {strides = array<i32>} : memref<512xi32, #tpu.memory_space<vmem>>, vector<16xi32>,
    %get3A_705 = vector.shape_cast %get3A_704 : vector<16xi32> to vector<16xi32>
    %broadcast_in_dim3A_706 = arith.constant 1 : i32
    %broadcast_in_dim3A_707 = vector.broadcast %broadcast_in_dim3A_706 : i32 to vector<16xi32>
    %broadcast_in_dim3A_708 = arith.constant 0 : i32
    %broadcast_in_dim3A_709 = vector.broadcast %broadcast_in_dim3A_708 : i32 to vector<16xi32>
    %jit3A_710 = arith.constant 0 : i32
    %jit3A_711 = arith.constant 8 : i32
    %max3A_712 = vector.broadcast %jit3A_710 : i32 to vector<16xi32>
    %max3A_713 = arith.maxsi %max3A_712, %get3A_705 : vector<16xi32>
    %min3A_714 = vector.broadcast %jit3A_711 : i32 to vector<16xi32>
    %min3A_715 = arith.minsi %min3A_714, %max3A_713 : vector<16xi32>
    %sub3A_716 = arith.constant 9 : i32
    %sub3A_717 = vector.broadcast %sub3A_716 : i32 to vector<16xi32>
    %sub3A_718 = arith.subi %get3A_705, %sub3A_717 : vector<16xi32>
    %jit3A_719 = arith.constant 0 : i32
    %jit3A_720 = arith.constant 16 : i32
    %max3A_721 = vector.broadcast %jit3A_719 : i32 to vector<16xi32>
    %max3A_722 = arith.maxsi %max3A_721, %sub3A_718 : vector<16xi32>
    %min3A_723 = vector.broadcast %jit3A_720 : i32 to vector<16xi32>
    %min3A_724 = arith.minsi %min3A_723, %max3A_722 : vector<16xi32>
    %add3A_725 = arith.addi %min3A_715, %min3A_724 : vector<16xi32>
    %ge3A_726 = arith.constant 30 : i32
    %ge3A_727 = vector.broadcast %ge3A_726 : i32 to vector<16xi32>
    %ge3A_728 = arith.cmpi sge, %get3A_705, %ge3A_727 : vector<16xi32>
    %select_n3A_729 = arith.select %ge3A_728, %broadcast_in_dim3A_707, %broadcast_in_dim3A_709 : vector<16xi1>, vector<16xi32>
    %add3A_730 = arith.addi %add3A_725, %select_n3A_729 : vector<16xi32>
    %ge3A_731 = arith.constant 35 : i32
    %ge3A_732 = vector.broadcast %ge3A_731 : i32 to vector<16xi32>
    %ge3A_733 = arith.cmpi sge, %get3A_705, %ge3A_732 : vector<16xi32>
    %select_n3A_734 = arith.select %ge3A_733, %broadcast_in_dim3A_707, %broadcast_in_dim3A_709 : vector<16xi1>, vector<16xi32>
    %add3A_735 = arith.addi %add3A_730, %select_n3A_734 : vector<16xi32>
    %swap3A_736 = arith.constant 32 : index
    %swap3A_737 = tpu.vector_load %arg10[%swap3A_736] {strides = array<i32>} : memref<64xi32, #tpu.memory_space<vmem>>, vector<16xi32>,
    %swap3A_738 = vector.shape_cast %swap3A_737 : vector<16xi32> to vector<16xi32>
    %swap3A_739 = vector.shape_cast %add3A_735 : vector<16xi32> to vector<16xi32>
    tpu.vector_store %arg10[%swap3A_736], %swap3A_739 {strides = array<i32>} : memref<64xi32, #tpu.memory_space<vmem>>, vector<16xi32>,
    %get3A_740 = arith.constant 304 : index
    %get3A_741 = tpu.vector_load %arg5[%get3A_740] {strides = array<i32>} : memref<512xi32, #tpu.memory_space<vmem>>, vector<16xi32>,
    %get3A_742 = vector.shape_cast %get3A_741 : vector<16xi32> to vector<16xi32>
    %broadcast_in_dim3A_743 = arith.constant 1 : i32
    %broadcast_in_dim3A_744 = vector.broadcast %broadcast_in_dim3A_743 : i32 to vector<16xi32>
    %broadcast_in_dim3A_745 = arith.constant 0 : i32
    %broadcast_in_dim3A_746 = vector.broadcast %broadcast_in_dim3A_745 : i32 to vector<16xi32>
    %jit3A_747 = arith.constant 0 : i32
    %jit3A_748 = arith.constant 8 : i32
    %max3A_749 = vector.broadcast %jit3A_747 : i32 to vector<16xi32>
    %max3A_750 = arith.maxsi %max3A_749, %get3A_742 : vector<16xi32>
    %min3A_751 = vector.broadcast %jit3A_748 : i32 to vector<16xi32>
    %min3A_752 = arith.minsi %min3A_751, %max3A_750 : vector<16xi32>
    %sub3A_753 = arith.constant 9 : i32
    %sub3A_754 = vector.broadcast %sub3A_753 : i32 to vector<16xi32>
    %sub3A_755 = arith.subi %get3A_742, %sub3A_754 : vector<16xi32>
    %jit3A_756 = arith.constant 0 : i32
    %jit3A_757 = arith.constant 16 : i32
    %max3A_758 = vector.broadcast %jit3A_756 : i32 to vector<16xi32>
    %max3A_759 = arith.maxsi %max3A_758, %sub3A_755 : vector<16xi32>
    %min3A_760 = vector.broadcast %jit3A_757 : i32 to vector<16xi32>
    %min3A_761 = arith.minsi %min3A_760, %max3A_759 : vector<16xi32>
    %add3A_762 = arith.addi %min3A_752, %min3A_761 : vector<16xi32>
    %ge3A_763 = arith.constant 30 : i32
    %ge3A_764 = vector.broadcast %ge3A_763 : i32 to vector<16xi32>
    %ge3A_765 = arith.cmpi sge, %get3A_742, %ge3A_764 : vector<16xi32>
    %select_n3A_766 = arith.select %ge3A_765, %broadcast_in_dim3A_744, %broadcast_in_dim3A_746 : vector<16xi1>, vector<16xi32>
    %add3A_767 = arith.addi %add3A_762, %select_n3A_766 : vector<16xi32>
    %ge3A_768 = arith.constant 35 : i32
    %ge3A_769 = vector.broadcast %ge3A_768 : i32 to vector<16xi32>
    %ge3A_770 = arith.cmpi sge, %get3A_742, %ge3A_769 : vector<16xi32>
    %select_n3A_771 = arith.select %ge3A_770, %broadcast_in_dim3A_744, %broadcast_in_dim3A_746 : vector<16xi1>, vector<16xi32>
    %add3A_772 = arith.addi %add3A_767, %select_n3A_771 : vector<16xi32>
    %swap3A_773 = arith.constant 48 : index
    %swap3A_774 = tpu.vector_load %arg10[%swap3A_773] {strides = array<i32>} : memref<64xi32, #tpu.memory_space<vmem>>, vector<16xi32>,
    %swap3A_775 = vector.shape_cast %swap3A_774 : vector<16xi32> to vector<16xi32>
    %swap3A_776 = vector.shape_cast %add3A_772 : vector<16xi32> to vector<16xi32>
    tpu.vector_store %arg10[%swap3A_773], %swap3A_776 {strides = array<i32>} : memref<64xi32, #tpu.memory_space<vmem>>, vector<16xi32>,
    %dma_start3A_777 = arith.constant 0 : i32
    %dma_start3A_778 = arith.constant 0 : i32
    %dma_start3A_779 = tpu.memref_slice %arg22[%dma_start3A_777, %dma_start3A_778] : memref<27x128xf32, #tpu.memory_space<vmem_shared>> -> memref<27x128xf32, #tpu.memory_space<vmem_shared>>
    tpu.enqueue_indirect_dma source(%dma_start3A_779 : memref<27x128xf32, #tpu.memory_space<vmem_shared>>) target(%arg18 : memref<64x128xf32, #tpu.memory_space<vmem>>) offsets(%arg10 : memref<64xi32, #tpu.memory_space<vmem>>) semaphore(%arg27 : memref<!tpu.dma_semaphore, #tpu.memory_space<semaphore_mem>>)
    %dma_wait3A_780 = arith.constant 0 : i32
    %dma_wait3A_781 = arith.constant 0 : i32
    %dma_wait3A_782 = tpu.memref_slice %arg22[%dma_wait3A_780, %dma_wait3A_781] : memref<27x128xf32, #tpu.memory_space<vmem_shared>> -> memref<27x128xf32, #tpu.memory_space<vmem_shared>>
    tpu.wait_indirect_dma semaphore(%arg26 : memref<!tpu.dma_semaphore, #tpu.memory_space<semaphore_mem>>) src(%dma_wait3A_782 : memref<27x128xf32, #tpu.memory_space<vmem_shared>>) dst(%arg17 : memref<64x128xf32, #tpu.memory_space<vmem>>)
    %add3A_783 = arith.constant 192 : i32
    %add3A_784 = arith.addi %mul3A_2, %add3A_783 : i32
    %dma_start3A_785 = arith.constant 0 : i32
    %dma_start3A_786 = tpu.memref_slice %arg4[%add3A_784, %dma_start3A_785] : memref<16384x128xf32, #tpu.memory_space<hbm>> -> memref<64x128xf32, #tpu.memory_space<hbm>>
    %dma_start3A_787 = arith.constant 0 : i32
    %dma_start3A_788 = tpu.memref_slice %arg4[%add3A_784, %dma_start3A_787] : memref<16384x128xf32, #tpu.memory_space<hbm>> -> memref<64x128xf32, #tpu.memory_space<hbm>>
    tpu.enqueue_dma source(%arg17 : memref<64x128xf32, #tpu.memory_space<vmem>>) target(%dma_start3A_788 : memref<64x128xf32, #tpu.memory_space<hbm>>) target_semaphore(%arg32 : memref<!tpu.dma_semaphore, #tpu.memory_space<semaphore_mem>>)
    %get3A_789 = arith.constant 320 : index
    %get3A_790 = tpu.vector_load %arg5[%get3A_789] {strides = array<i32>} : memref<512xi32, #tpu.memory_space<vmem>>, vector<16xi32>,
    %get3A_791 = vector.shape_cast %get3A_790 : vector<16xi32> to vector<16xi32>
    %broadcast_in_dim3A_792 = arith.constant 1 : i32
    %broadcast_in_dim3A_793 = vector.broadcast %broadcast_in_dim3A_792 : i32 to vector<16xi32>
    %broadcast_in_dim3A_794 = arith.constant 0 : i32
    %broadcast_in_dim3A_795 = vector.broadcast %broadcast_in_dim3A_794 : i32 to vector<16xi32>
    %jit3A_796 = arith.constant 0 : i32
    %jit3A_797 = arith.constant 8 : i32
    %max3A_798 = vector.broadcast %jit3A_796 : i32 to vector<16xi32>
    %max3A_799 = arith.maxsi %max3A_798, %get3A_791 : vector<16xi32>
    %min3A_800 = vector.broadcast %jit3A_797 : i32 to vector<16xi32>
    %min3A_801 = arith.minsi %min3A_800, %max3A_799 : vector<16xi32>
    %sub3A_802 = arith.constant 9 : i32
    %sub3A_803 = vector.broadcast %sub3A_802 : i32 to vector<16xi32>
    %sub3A_804 = arith.subi %get3A_791, %sub3A_803 : vector<16xi32>
    %jit3A_805 = arith.constant 0 : i32
    %jit3A_806 = arith.constant 16 : i32
    %max3A_807 = vector.broadcast %jit3A_805 : i32 to vector<16xi32>
    %max3A_808 = arith.maxsi %max3A_807, %sub3A_804 : vector<16xi32>
    %min3A_809 = vector.broadcast %jit3A_806 : i32 to vector<16xi32>
    %min3A_810 = arith.minsi %min3A_809, %max3A_808 : vector<16xi32>
    %add3A_811 = arith.addi %min3A_801, %min3A_810 : vector<16xi32>
    %ge3A_812 = arith.constant 30 : i32
    %ge3A_813 = vector.broadcast %ge3A_812 : i32 to vector<16xi32>
    %ge3A_814 = arith.cmpi sge, %get3A_791, %ge3A_813 : vector<16xi32>
    %select_n3A_815 = arith.select %ge3A_814, %broadcast_in_dim3A_793, %broadcast_in_dim3A_795 : vector<16xi1>, vector<16xi32>
    %add3A_816 = arith.addi %add3A_811, %select_n3A_815 : vector<16xi32>
    %ge3A_817 = arith.constant 35 : i32
    %ge3A_818 = vector.broadcast %ge3A_817 : i32 to vector<16xi32>
    %ge3A_819 = arith.cmpi sge, %get3A_791, %ge3A_818 : vector<16xi32>
    %select_n3A_820 = arith.select %ge3A_819, %broadcast_in_dim3A_793, %broadcast_in_dim3A_795 : vector<16xi1>, vector<16xi32>
    %add3A_821 = arith.addi %add3A_816, %select_n3A_820 : vector<16xi32>
    %swap3A_822 = arith.constant 0 : index
    %swap3A_823 = tpu.vector_load %arg11[%swap3A_822] {strides = array<i32>} : memref<64xi32, #tpu.memory_space<vmem>>, vector<16xi32>,
    %swap3A_824 = vector.shape_cast %swap3A_823 : vector<16xi32> to vector<16xi32>
    %swap3A_825 = vector.shape_cast %add3A_821 : vector<16xi32> to vector<16xi32>
    tpu.vector_store %arg11[%swap3A_822], %swap3A_825 {strides = array<i32>} : memref<64xi32, #tpu.memory_space<vmem>>, vector<16xi32>,
    %get3A_826 = arith.constant 336 : index
    %get3A_827 = tpu.vector_load %arg5[%get3A_826] {strides = array<i32>} : memref<512xi32, #tpu.memory_space<vmem>>, vector<16xi32>,
    %get3A_828 = vector.shape_cast %get3A_827 : vector<16xi32> to vector<16xi32>
    %broadcast_in_dim3A_829 = arith.constant 1 : i32
    %broadcast_in_dim3A_830 = vector.broadcast %broadcast_in_dim3A_829 : i32 to vector<16xi32>
    %broadcast_in_dim3A_831 = arith.constant 0 : i32
    %broadcast_in_dim3A_832 = vector.broadcast %broadcast_in_dim3A_831 : i32 to vector<16xi32>
    %jit3A_833 = arith.constant 0 : i32
    %jit3A_834 = arith.constant 8 : i32
    %max3A_835 = vector.broadcast %jit3A_833 : i32 to vector<16xi32>
    %max3A_836 = arith.maxsi %max3A_835, %get3A_828 : vector<16xi32>
    %min3A_837 = vector.broadcast %jit3A_834 : i32 to vector<16xi32>
    %min3A_838 = arith.minsi %min3A_837, %max3A_836 : vector<16xi32>
    %sub3A_839 = arith.constant 9 : i32
    %sub3A_840 = vector.broadcast %sub3A_839 : i32 to vector<16xi32>
    %sub3A_841 = arith.subi %get3A_828, %sub3A_840 : vector<16xi32>
    %jit3A_842 = arith.constant 0 : i32
    %jit3A_843 = arith.constant 16 : i32
    %max3A_844 = vector.broadcast %jit3A_842 : i32 to vector<16xi32>
    %max3A_845 = arith.maxsi %max3A_844, %sub3A_841 : vector<16xi32>
    %min3A_846 = vector.broadcast %jit3A_843 : i32 to vector<16xi32>
    %min3A_847 = arith.minsi %min3A_846, %max3A_845 : vector<16xi32>
    %add3A_848 = arith.addi %min3A_838, %min3A_847 : vector<16xi32>
    %ge3A_849 = arith.constant 30 : i32
    %ge3A_850 = vector.broadcast %ge3A_849 : i32 to vector<16xi32>
    %ge3A_851 = arith.cmpi sge, %get3A_828, %ge3A_850 : vector<16xi32>
    %select_n3A_852 = arith.select %ge3A_851, %broadcast_in_dim3A_830, %broadcast_in_dim3A_832 : vector<16xi1>, vector<16xi32>
    %add3A_853 = arith.addi %add3A_848, %select_n3A_852 : vector<16xi32>
    %ge3A_854 = arith.constant 35 : i32
    %ge3A_855 = vector.broadcast %ge3A_854 : i32 to vector<16xi32>
    %ge3A_856 = arith.cmpi sge, %get3A_828, %ge3A_855 : vector<16xi32>
    %select_n3A_857 = arith.select %ge3A_856, %broadcast_in_dim3A_830, %broadcast_in_dim3A_832 : vector<16xi1>, vector<16xi32>
    %add3A_858 = arith.addi %add3A_853, %select_n3A_857 : vector<16xi32>
    %swap3A_859 = arith.constant 16 : index
    %swap3A_860 = tpu.vector_load %arg11[%swap3A_859] {strides = array<i32>} : memref<64xi32, #tpu.memory_space<vmem>>, vector<16xi32>,
    %swap3A_861 = vector.shape_cast %swap3A_860 : vector<16xi32> to vector<16xi32>
    %swap3A_862 = vector.shape_cast %add3A_858 : vector<16xi32> to vector<16xi32>
    tpu.vector_store %arg11[%swap3A_859], %swap3A_862 {strides = array<i32>} : memref<64xi32, #tpu.memory_space<vmem>>, vector<16xi32>,
    %get3A_863 = arith.constant 352 : index
    %get3A_864 = tpu.vector_load %arg5[%get3A_863] {strides = array<i32>} : memref<512xi32, #tpu.memory_space<vmem>>, vector<16xi32>,
    %get3A_865 = vector.shape_cast %get3A_864 : vector<16xi32> to vector<16xi32>
    %broadcast_in_dim3A_866 = arith.constant 1 : i32
    %broadcast_in_dim3A_867 = vector.broadcast %broadcast_in_dim3A_866 : i32 to vector<16xi32>
    %broadcast_in_dim3A_868 = arith.constant 0 : i32
    %broadcast_in_dim3A_869 = vector.broadcast %broadcast_in_dim3A_868 : i32 to vector<16xi32>
    %jit3A_870 = arith.constant 0 : i32
    %jit3A_871 = arith.constant 8 : i32
    %max3A_872 = vector.broadcast %jit3A_870 : i32 to vector<16xi32>
    %max3A_873 = arith.maxsi %max3A_872, %get3A_865 : vector<16xi32>
    %min3A_874 = vector.broadcast %jit3A_871 : i32 to vector<16xi32>
    %min3A_875 = arith.minsi %min3A_874, %max3A_873 : vector<16xi32>
    %sub3A_876 = arith.constant 9 : i32
    %sub3A_877 = vector.broadcast %sub3A_876 : i32 to vector<16xi32>
    %sub3A_878 = arith.subi %get3A_865, %sub3A_877 : vector<16xi32>
    %jit3A_879 = arith.constant 0 : i32
    %jit3A_880 = arith.constant 16 : i32
    %max3A_881 = vector.broadcast %jit3A_879 : i32 to vector<16xi32>
    %max3A_882 = arith.maxsi %max3A_881, %sub3A_878 : vector<16xi32>
    %min3A_883 = vector.broadcast %jit3A_880 : i32 to vector<16xi32>
    %min3A_884 = arith.minsi %min3A_883, %max3A_882 : vector<16xi32>
    %add3A_885 = arith.addi %min3A_875, %min3A_884 : vector<16xi32>
    %ge3A_886 = arith.constant 30 : i32
    %ge3A_887 = vector.broadcast %ge3A_886 : i32 to vector<16xi32>
    %ge3A_888 = arith.cmpi sge, %get3A_865, %ge3A_887 : vector<16xi32>
    %select_n3A_889 = arith.select %ge3A_888, %broadcast_in_dim3A_867, %broadcast_in_dim3A_869 : vector<16xi1>, vector<16xi32>
    %add3A_890 = arith.addi %add3A_885, %select_n3A_889 : vector<16xi32>
    %ge3A_891 = arith.constant 35 : i32
    %ge3A_892 = vector.broadcast %ge3A_891 : i32 to vector<16xi32>
    %ge3A_893 = arith.cmpi sge, %get3A_865, %ge3A_892 : vector<16xi32>
    %select_n3A_894 = arith.select %ge3A_893, %broadcast_in_dim3A_867, %broadcast_in_dim3A_869 : vector<16xi1>, vector<16xi32>
    %add3A_895 = arith.addi %add3A_890, %select_n3A_894 : vector<16xi32>
    %swap3A_896 = arith.constant 32 : index
    %swap3A_897 = tpu.vector_load %arg11[%swap3A_896] {strides = array<i32>} : memref<64xi32, #tpu.memory_space<vmem>>, vector<16xi32>,
    %swap3A_898 = vector.shape_cast %swap3A_897 : vector<16xi32> to vector<16xi32>
    %swap3A_899 = vector.shape_cast %add3A_895 : vector<16xi32> to vector<16xi32>
    tpu.vector_store %arg11[%swap3A_896], %swap3A_899 {strides = array<i32>} : memref<64xi32, #tpu.memory_space<vmem>>, vector<16xi32>,
    %get3A_900 = arith.constant 368 : index
    %get3A_901 = tpu.vector_load %arg5[%get3A_900] {strides = array<i32>} : memref<512xi32, #tpu.memory_space<vmem>>, vector<16xi32>,
    %get3A_902 = vector.shape_cast %get3A_901 : vector<16xi32> to vector<16xi32>
    %broadcast_in_dim3A_903 = arith.constant 1 : i32
    %broadcast_in_dim3A_904 = vector.broadcast %broadcast_in_dim3A_903 : i32 to vector<16xi32>
    %broadcast_in_dim3A_905 = arith.constant 0 : i32
    %broadcast_in_dim3A_906 = vector.broadcast %broadcast_in_dim3A_905 : i32 to vector<16xi32>
    %jit3A_907 = arith.constant 0 : i32
    %jit3A_908 = arith.constant 8 : i32
    %max3A_909 = vector.broadcast %jit3A_907 : i32 to vector<16xi32>
    %max3A_910 = arith.maxsi %max3A_909, %get3A_902 : vector<16xi32>
    %min3A_911 = vector.broadcast %jit3A_908 : i32 to vector<16xi32>
    %min3A_912 = arith.minsi %min3A_911, %max3A_910 : vector<16xi32>
    %sub3A_913 = arith.constant 9 : i32
    %sub3A_914 = vector.broadcast %sub3A_913 : i32 to vector<16xi32>
    %sub3A_915 = arith.subi %get3A_902, %sub3A_914 : vector<16xi32>
    %jit3A_916 = arith.constant 0 : i32
    %jit3A_917 = arith.constant 16 : i32
    %max3A_918 = vector.broadcast %jit3A_916 : i32 to vector<16xi32>
    %max3A_919 = arith.maxsi %max3A_918, %sub3A_915 : vector<16xi32>
    %min3A_920 = vector.broadcast %jit3A_917 : i32 to vector<16xi32>
    %min3A_921 = arith.minsi %min3A_920, %max3A_919 : vector<16xi32>
    %add3A_922 = arith.addi %min3A_912, %min3A_921 : vector<16xi32>
    %ge3A_923 = arith.constant 30 : i32
    %ge3A_924 = vector.broadcast %ge3A_923 : i32 to vector<16xi32>
    %ge3A_925 = arith.cmpi sge, %get3A_902, %ge3A_924 : vector<16xi32>
    %select_n3A_926 = arith.select %ge3A_925, %broadcast_in_dim3A_904, %broadcast_in_dim3A_906 : vector<16xi1>, vector<16xi32>
    %add3A_927 = arith.addi %add3A_922, %select_n3A_926 : vector<16xi32>
    %ge3A_928 = arith.constant 35 : i32
    %ge3A_929 = vector.broadcast %ge3A_928 : i32 to vector<16xi32>
    %ge3A_930 = arith.cmpi sge, %get3A_902, %ge3A_929 : vector<16xi32>
    %select_n3A_931 = arith.select %ge3A_930, %broadcast_in_dim3A_904, %broadcast_in_dim3A_906 : vector<16xi1>, vector<16xi32>
    %add3A_932 = arith.addi %add3A_927, %select_n3A_931 : vector<16xi32>
    %swap3A_933 = arith.constant 48 : index
    %swap3A_934 = tpu.vector_load %arg11[%swap3A_933] {strides = array<i32>} : memref<64xi32, #tpu.memory_space<vmem>>, vector<16xi32>,
    %swap3A_935 = vector.shape_cast %swap3A_934 : vector<16xi32> to vector<16xi32>
    %swap3A_936 = vector.shape_cast %add3A_932 : vector<16xi32> to vector<16xi32>
    tpu.vector_store %arg11[%swap3A_933], %swap3A_936 {strides = array<i32>} : memref<64xi32, #tpu.memory_space<vmem>>, vector<16xi32>,
    %dma_start3A_937 = arith.constant 0 : i32
    %dma_start3A_938 = arith.constant 0 : i32
    %dma_start3A_939 = tpu.memref_slice %arg22[%dma_start3A_937, %dma_start3A_938] : memref<27x128xf32, #tpu.memory_space<vmem_shared>> -> memref<27x128xf32, #tpu.memory_space<vmem_shared>>
    tpu.enqueue_indirect_dma source(%dma_start3A_939 : memref<27x128xf32, #tpu.memory_space<vmem_shared>>) target(%arg19 : memref<64x128xf32, #tpu.memory_space<vmem>>) offsets(%arg11 : memref<64xi32, #tpu.memory_space<vmem>>) semaphore(%arg28 : memref<!tpu.dma_semaphore, #tpu.memory_space<semaphore_mem>>)
    %dma_wait3A_940 = arith.constant 0 : i32
    %dma_wait3A_941 = arith.constant 0 : i32
    %dma_wait3A_942 = tpu.memref_slice %arg22[%dma_wait3A_940, %dma_wait3A_941] : memref<27x128xf32, #tpu.memory_space<vmem_shared>> -> memref<27x128xf32, #tpu.memory_space<vmem_shared>>
    tpu.wait_indirect_dma semaphore(%arg27 : memref<!tpu.dma_semaphore, #tpu.memory_space<semaphore_mem>>) src(%dma_wait3A_942 : memref<27x128xf32, #tpu.memory_space<vmem_shared>>) dst(%arg18 : memref<64x128xf32, #tpu.memory_space<vmem>>)
    %add3A_943 = arith.constant 256 : i32
    %add3A_944 = arith.addi %mul3A_2, %add3A_943 : i32
    %dma_start3A_945 = arith.constant 0 : i32
    %dma_start3A_946 = tpu.memref_slice %arg4[%add3A_944, %dma_start3A_945] : memref<16384x128xf32, #tpu.memory_space<hbm>> -> memref<64x128xf32, #tpu.memory_space<hbm>>
    %dma_start3A_947 = arith.constant 0 : i32
    %dma_start3A_948 = tpu.memref_slice %arg4[%add3A_944, %dma_start3A_947] : memref<16384x128xf32, #tpu.memory_space<hbm>> -> memref<64x128xf32, #tpu.memory_space<hbm>>
    tpu.enqueue_dma source(%arg18 : memref<64x128xf32, #tpu.memory_space<vmem>>) target(%dma_start3A_948 : memref<64x128xf32, #tpu.memory_space<hbm>>) target_semaphore(%arg32 : memref<!tpu.dma_semaphore, #tpu.memory_space<semaphore_mem>>)
    %get3A_949 = arith.constant 384 : index
    %get3A_950 = tpu.vector_load %arg5[%get3A_949] {strides = array<i32>} : memref<512xi32, #tpu.memory_space<vmem>>, vector<16xi32>,
    %get3A_951 = vector.shape_cast %get3A_950 : vector<16xi32> to vector<16xi32>
    %broadcast_in_dim3A_952 = arith.constant 1 : i32
    %broadcast_in_dim3A_953 = vector.broadcast %broadcast_in_dim3A_952 : i32 to vector<16xi32>
    %broadcast_in_dim3A_954 = arith.constant 0 : i32
    %broadcast_in_dim3A_955 = vector.broadcast %broadcast_in_dim3A_954 : i32 to vector<16xi32>
    %jit3A_956 = arith.constant 0 : i32
    %jit3A_957 = arith.constant 8 : i32
    %max3A_958 = vector.broadcast %jit3A_956 : i32 to vector<16xi32>
    %max3A_959 = arith.maxsi %max3A_958, %get3A_951 : vector<16xi32>
    %min3A_960 = vector.broadcast %jit3A_957 : i32 to vector<16xi32>
    %min3A_961 = arith.minsi %min3A_960, %max3A_959 : vector<16xi32>
    %sub3A_962 = arith.constant 9 : i32
    %sub3A_963 = vector.broadcast %sub3A_962 : i32 to vector<16xi32>
    %sub3A_964 = arith.subi %get3A_951, %sub3A_963 : vector<16xi32>
    %jit3A_965 = arith.constant 0 : i32
    %jit3A_966 = arith.constant 16 : i32
    %max3A_967 = vector.broadcast %jit3A_965 : i32 to vector<16xi32>
    %max3A_968 = arith.maxsi %max3A_967, %sub3A_964 : vector<16xi32>
    %min3A_969 = vector.broadcast %jit3A_966 : i32 to vector<16xi32>
    %min3A_970 = arith.minsi %min3A_969, %max3A_968 : vector<16xi32>
    %add3A_971 = arith.addi %min3A_961, %min3A_970 : vector<16xi32>
    %ge3A_972 = arith.constant 30 : i32
    %ge3A_973 = vector.broadcast %ge3A_972 : i32 to vector<16xi32>
    %ge3A_974 = arith.cmpi sge, %get3A_951, %ge3A_973 : vector<16xi32>
    %select_n3A_975 = arith.select %ge3A_974, %broadcast_in_dim3A_953, %broadcast_in_dim3A_955 : vector<16xi1>, vector<16xi32>
    %add3A_976 = arith.addi %add3A_971, %select_n3A_975 : vector<16xi32>
    %ge3A_977 = arith.constant 35 : i32
    %ge3A_978 = vector.broadcast %ge3A_977 : i32 to vector<16xi32>
    %ge3A_979 = arith.cmpi sge, %get3A_951, %ge3A_978 : vector<16xi32>
    %select_n3A_980 = arith.select %ge3A_979, %broadcast_in_dim3A_953, %broadcast_in_dim3A_955 : vector<16xi1>, vector<16xi32>
    %add3A_981 = arith.addi %add3A_976, %select_n3A_980 : vector<16xi32>
    %swap3A_982 = arith.constant 0 : index
    %swap3A_983 = tpu.vector_load %arg12[%swap3A_982] {strides = array<i32>} : memref<64xi32, #tpu.memory_space<vmem>>, vector<16xi32>,
    %swap3A_984 = vector.shape_cast %swap3A_983 : vector<16xi32> to vector<16xi32>
    %swap3A_985 = vector.shape_cast %add3A_981 : vector<16xi32> to vector<16xi32>
    tpu.vector_store %arg12[%swap3A_982], %swap3A_985 {strides = array<i32>} : memref<64xi32, #tpu.memory_space<vmem>>, vector<16xi32>,
    %get3A_986 = arith.constant 400 : index
    %get3A_987 = tpu.vector_load %arg5[%get3A_986] {strides = array<i32>} : memref<512xi32, #tpu.memory_space<vmem>>, vector<16xi32>,
    %get3A_988 = vector.shape_cast %get3A_987 : vector<16xi32> to vector<16xi32>
    %broadcast_in_dim3A_989 = arith.constant 1 : i32
    %broadcast_in_dim3A_990 = vector.broadcast %broadcast_in_dim3A_989 : i32 to vector<16xi32>
    %broadcast_in_dim3A_991 = arith.constant 0 : i32
    %broadcast_in_dim3A_992 = vector.broadcast %broadcast_in_dim3A_991 : i32 to vector<16xi32>
    %jit3A_993 = arith.constant 0 : i32
    %jit3A_994 = arith.constant 8 : i32
    %max3A_995 = vector.broadcast %jit3A_993 : i32 to vector<16xi32>
    %max3A_996 = arith.maxsi %max3A_995, %get3A_988 : vector<16xi32>
    %min3A_997 = vector.broadcast %jit3A_994 : i32 to vector<16xi32>
    %min3A_998 = arith.minsi %min3A_997, %max3A_996 : vector<16xi32>
    %sub3A_999 = arith.constant 9 : i32
    %sub3A_1000 = vector.broadcast %sub3A_999 : i32 to vector<16xi32>
    %sub3A_1001 = arith.subi %get3A_988, %sub3A_1000 : vector<16xi32>
    %jit3A_1002 = arith.constant 0 : i32
    %jit3A_1003 = arith.constant 16 : i32
    %max3A_1004 = vector.broadcast %jit3A_1002 : i32 to vector<16xi32>
    %max3A_1005 = arith.maxsi %max3A_1004, %sub3A_1001 : vector<16xi32>
    %min3A_1006 = vector.broadcast %jit3A_1003 : i32 to vector<16xi32>
    %min3A_1007 = arith.minsi %min3A_1006, %max3A_1005 : vector<16xi32>
    %add3A_1008 = arith.addi %min3A_998, %min3A_1007 : vector<16xi32>
    %ge3A_1009 = arith.constant 30 : i32
    %ge3A_1010 = vector.broadcast %ge3A_1009 : i32 to vector<16xi32>
    %ge3A_1011 = arith.cmpi sge, %get3A_988, %ge3A_1010 : vector<16xi32>
    %select_n3A_1012 = arith.select %ge3A_1011, %broadcast_in_dim3A_990, %broadcast_in_dim3A_992 : vector<16xi1>, vector<16xi32>
    %add3A_1013 = arith.addi %add3A_1008, %select_n3A_1012 : vector<16xi32>
    %ge3A_1014 = arith.constant 35 : i32
    %ge3A_1015 = vector.broadcast %ge3A_1014 : i32 to vector<16xi32>
    %ge3A_1016 = arith.cmpi sge, %get3A_988, %ge3A_1015 : vector<16xi32>
    %select_n3A_1017 = arith.select %ge3A_1016, %broadcast_in_dim3A_990, %broadcast_in_dim3A_992 : vector<16xi1>, vector<16xi32>
    %add3A_1018 = arith.addi %add3A_1013, %select_n3A_1017 : vector<16xi32>
    %swap3A_1019 = arith.constant 16 : index
    %swap3A_1020 = tpu.vector_load %arg12[%swap3A_1019] {strides = array<i32>} : memref<64xi32, #tpu.memory_space<vmem>>, vector<16xi32>,
    %swap3A_1021 = vector.shape_cast %swap3A_1020 : vector<16xi32> to vector<16xi32>
    %swap3A_1022 = vector.shape_cast %add3A_1018 : vector<16xi32> to vector<16xi32>
    tpu.vector_store %arg12[%swap3A_1019], %swap3A_1022 {strides = array<i32>} : memref<64xi32, #tpu.memory_space<vmem>>, vector<16xi32>,
    %get3A_1023 = arith.constant 416 : index
    %get3A_1024 = tpu.vector_load %arg5[%get3A_1023] {strides = array<i32>} : memref<512xi32, #tpu.memory_space<vmem>>, vector<16xi32>,
    %get3A_1025 = vector.shape_cast %get3A_1024 : vector<16xi32> to vector<16xi32>
    %broadcast_in_dim3A_1026 = arith.constant 1 : i32
    %broadcast_in_dim3A_1027 = vector.broadcast %broadcast_in_dim3A_1026 : i32 to vector<16xi32>
    %broadcast_in_dim3A_1028 = arith.constant 0 : i32
    %broadcast_in_dim3A_1029 = vector.broadcast %broadcast_in_dim3A_1028 : i32 to vector<16xi32>
    %jit3A_1030 = arith.constant 0 : i32
    %jit3A_1031 = arith.constant 8 : i32
    %max3A_1032 = vector.broadcast %jit3A_1030 : i32 to vector<16xi32>
    %max3A_1033 = arith.maxsi %max3A_1032, %get3A_1025 : vector<16xi32>
    %min3A_1034 = vector.broadcast %jit3A_1031 : i32 to vector<16xi32>
    %min3A_1035 = arith.minsi %min3A_1034, %max3A_1033 : vector<16xi32>
    %sub3A_1036 = arith.constant 9 : i32
    %sub3A_1037 = vector.broadcast %sub3A_1036 : i32 to vector<16xi32>
    %sub3A_1038 = arith.subi %get3A_1025, %sub3A_1037 : vector<16xi32>
    %jit3A_1039 = arith.constant 0 : i32
    %jit3A_1040 = arith.constant 16 : i32
    %max3A_1041 = vector.broadcast %jit3A_1039 : i32 to vector<16xi32>
    %max3A_1042 = arith.maxsi %max3A_1041, %sub3A_1038 : vector<16xi32>
    %min3A_1043 = vector.broadcast %jit3A_1040 : i32 to vector<16xi32>
    %min3A_1044 = arith.minsi %min3A_1043, %max3A_1042 : vector<16xi32>
    %add3A_1045 = arith.addi %min3A_1035, %min3A_1044 : vector<16xi32>
    %ge3A_1046 = arith.constant 30 : i32
    %ge3A_1047 = vector.broadcast %ge3A_1046 : i32 to vector<16xi32>
    %ge3A_1048 = arith.cmpi sge, %get3A_1025, %ge3A_1047 : vector<16xi32>
    %select_n3A_1049 = arith.select %ge3A_1048, %broadcast_in_dim3A_1027, %broadcast_in_dim3A_1029 : vector<16xi1>, vector<16xi32>
    %add3A_1050 = arith.addi %add3A_1045, %select_n3A_1049 : vector<16xi32>
    %ge3A_1051 = arith.constant 35 : i32
    %ge3A_1052 = vector.broadcast %ge3A_1051 : i32 to vector<16xi32>
    %ge3A_1053 = arith.cmpi sge, %get3A_1025, %ge3A_1052 : vector<16xi32>
    %select_n3A_1054 = arith.select %ge3A_1053, %broadcast_in_dim3A_1027, %broadcast_in_dim3A_1029 : vector<16xi1>, vector<16xi32>
    %add3A_1055 = arith.addi %add3A_1050, %select_n3A_1054 : vector<16xi32>
    %swap3A_1056 = arith.constant 32 : index
    %swap3A_1057 = tpu.vector_load %arg12[%swap3A_1056] {strides = array<i32>} : memref<64xi32, #tpu.memory_space<vmem>>, vector<16xi32>,
    %swap3A_1058 = vector.shape_cast %swap3A_1057 : vector<16xi32> to vector<16xi32>
    %swap3A_1059 = vector.shape_cast %add3A_1055 : vector<16xi32> to vector<16xi32>
    tpu.vector_store %arg12[%swap3A_1056], %swap3A_1059 {strides = array<i32>} : memref<64xi32, #tpu.memory_space<vmem>>, vector<16xi32>,
    %get3A_1060 = arith.constant 432 : index
    %get3A_1061 = tpu.vector_load %arg5[%get3A_1060] {strides = array<i32>} : memref<512xi32, #tpu.memory_space<vmem>>, vector<16xi32>,
    %get3A_1062 = vector.shape_cast %get3A_1061 : vector<16xi32> to vector<16xi32>
    %broadcast_in_dim3A_1063 = arith.constant 1 : i32
    %broadcast_in_dim3A_1064 = vector.broadcast %broadcast_in_dim3A_1063 : i32 to vector<16xi32>
    %broadcast_in_dim3A_1065 = arith.constant 0 : i32
    %broadcast_in_dim3A_1066 = vector.broadcast %broadcast_in_dim3A_1065 : i32 to vector<16xi32>
    %jit3A_1067 = arith.constant 0 : i32
    %jit3A_1068 = arith.constant 8 : i32
    %max3A_1069 = vector.broadcast %jit3A_1067 : i32 to vector<16xi32>
    %max3A_1070 = arith.maxsi %max3A_1069, %get3A_1062 : vector<16xi32>
    %min3A_1071 = vector.broadcast %jit3A_1068 : i32 to vector<16xi32>
    %min3A_1072 = arith.minsi %min3A_1071, %max3A_1070 : vector<16xi32>
    %sub3A_1073 = arith.constant 9 : i32
    %sub3A_1074 = vector.broadcast %sub3A_1073 : i32 to vector<16xi32>
    %sub3A_1075 = arith.subi %get3A_1062, %sub3A_1074 : vector<16xi32>
    %jit3A_1076 = arith.constant 0 : i32
    %jit3A_1077 = arith.constant 16 : i32
    %max3A_1078 = vector.broadcast %jit3A_1076 : i32 to vector<16xi32>
    %max3A_1079 = arith.maxsi %max3A_1078, %sub3A_1075 : vector<16xi32>
    %min3A_1080 = vector.broadcast %jit3A_1077 : i32 to vector<16xi32>
    %min3A_1081 = arith.minsi %min3A_1080, %max3A_1079 : vector<16xi32>
    %add3A_1082 = arith.addi %min3A_1072, %min3A_1081 : vector<16xi32>
    %ge3A_1083 = arith.constant 30 : i32
    %ge3A_1084 = vector.broadcast %ge3A_1083 : i32 to vector<16xi32>
    %ge3A_1085 = arith.cmpi sge, %get3A_1062, %ge3A_1084 : vector<16xi32>
    %select_n3A_1086 = arith.select %ge3A_1085, %broadcast_in_dim3A_1064, %broadcast_in_dim3A_1066 : vector<16xi1>, vector<16xi32>
    %add3A_1087 = arith.addi %add3A_1082, %select_n3A_1086 : vector<16xi32>
    %ge3A_1088 = arith.constant 35 : i32
    %ge3A_1089 = vector.broadcast %ge3A_1088 : i32 to vector<16xi32>
    %ge3A_1090 = arith.cmpi sge, %get3A_1062, %ge3A_1089 : vector<16xi32>
    %select_n3A_1091 = arith.select %ge3A_1090, %broadcast_in_dim3A_1064, %broadcast_in_dim3A_1066 : vector<16xi1>, vector<16xi32>
    %add3A_1092 = arith.addi %add3A_1087, %select_n3A_1091 : vector<16xi32>
    %swap3A_1093 = arith.constant 48 : index
    %swap3A_1094 = tpu.vector_load %arg12[%swap3A_1093] {strides = array<i32>} : memref<64xi32, #tpu.memory_space<vmem>>, vector<16xi32>,
    %swap3A_1095 = vector.shape_cast %swap3A_1094 : vector<16xi32> to vector<16xi32>
    %swap3A_1096 = vector.shape_cast %add3A_1092 : vector<16xi32> to vector<16xi32>
    tpu.vector_store %arg12[%swap3A_1093], %swap3A_1096 {strides = array<i32>} : memref<64xi32, #tpu.memory_space<vmem>>, vector<16xi32>,
    %dma_start3A_1097 = arith.constant 0 : i32
    %dma_start3A_1098 = arith.constant 0 : i32
    %dma_start3A_1099 = tpu.memref_slice %arg22[%dma_start3A_1097, %dma_start3A_1098] : memref<27x128xf32, #tpu.memory_space<vmem_shared>> -> memref<27x128xf32, #tpu.memory_space<vmem_shared>>
    tpu.enqueue_indirect_dma source(%dma_start3A_1099 : memref<27x128xf32, #tpu.memory_space<vmem_shared>>) target(%arg20 : memref<64x128xf32, #tpu.memory_space<vmem>>) offsets(%arg12 : memref<64xi32, #tpu.memory_space<vmem>>) semaphore(%arg29 : memref<!tpu.dma_semaphore, #tpu.memory_space<semaphore_mem>>)
    %dma_wait3A_1100 = arith.constant 0 : i32
    %dma_wait3A_1101 = arith.constant 0 : i32
    %dma_wait3A_1102 = tpu.memref_slice %arg22[%dma_wait3A_1100, %dma_wait3A_1101] : memref<27x128xf32, #tpu.memory_space<vmem_shared>> -> memref<27x128xf32, #tpu.memory_space<vmem_shared>>
    tpu.wait_indirect_dma semaphore(%arg28 : memref<!tpu.dma_semaphore, #tpu.memory_space<semaphore_mem>>) src(%dma_wait3A_1102 : memref<27x128xf32, #tpu.memory_space<vmem_shared>>) dst(%arg19 : memref<64x128xf32, #tpu.memory_space<vmem>>)
    %add3A_1103 = arith.constant 320 : i32
    %add3A_1104 = arith.addi %mul3A_2, %add3A_1103 : i32
    %dma_start3A_1105 = arith.constant 0 : i32
    %dma_start3A_1106 = tpu.memref_slice %arg4[%add3A_1104, %dma_start3A_1105] : memref<16384x128xf32, #tpu.memory_space<hbm>> -> memref<64x128xf32, #tpu.memory_space<hbm>>
    %dma_start3A_1107 = arith.constant 0 : i32
    %dma_start3A_1108 = tpu.memref_slice %arg4[%add3A_1104, %dma_start3A_1107] : memref<16384x128xf32, #tpu.memory_space<hbm>> -> memref<64x128xf32, #tpu.memory_space<hbm>>
    tpu.enqueue_dma source(%arg19 : memref<64x128xf32, #tpu.memory_space<vmem>>) target(%dma_start3A_1108 : memref<64x128xf32, #tpu.memory_space<hbm>>) target_semaphore(%arg32 : memref<!tpu.dma_semaphore, #tpu.memory_space<semaphore_mem>>)
    %get3A_1109 = arith.constant 448 : index
    %get3A_1110 = tpu.vector_load %arg5[%get3A_1109] {strides = array<i32>} : memref<512xi32, #tpu.memory_space<vmem>>, vector<16xi32>,
    %get3A_1111 = vector.shape_cast %get3A_1110 : vector<16xi32> to vector<16xi32>
    %broadcast_in_dim3A_1112 = arith.constant 1 : i32
    %broadcast_in_dim3A_1113 = vector.broadcast %broadcast_in_dim3A_1112 : i32 to vector<16xi32>
    %broadcast_in_dim3A_1114 = arith.constant 0 : i32
    %broadcast_in_dim3A_1115 = vector.broadcast %broadcast_in_dim3A_1114 : i32 to vector<16xi32>
    %jit3A_1116 = arith.constant 0 : i32
    %jit3A_1117 = arith.constant 8 : i32
    %max3A_1118 = vector.broadcast %jit3A_1116 : i32 to vector<16xi32>
    %max3A_1119 = arith.maxsi %max3A_1118, %get3A_1111 : vector<16xi32>
    %min3A_1120 = vector.broadcast %jit3A_1117 : i32 to vector<16xi32>
    %min3A_1121 = arith.minsi %min3A_1120, %max3A_1119 : vector<16xi32>
    %sub3A_1122 = arith.constant 9 : i32
    %sub3A_1123 = vector.broadcast %sub3A_1122 : i32 to vector<16xi32>
    %sub3A_1124 = arith.subi %get3A_1111, %sub3A_1123 : vector<16xi32>
    %jit3A_1125 = arith.constant 0 : i32
    %jit3A_1126 = arith.constant 16 : i32
    %max3A_1127 = vector.broadcast %jit3A_1125 : i32 to vector<16xi32>
    %max3A_1128 = arith.maxsi %max3A_1127, %sub3A_1124 : vector<16xi32>
    %min3A_1129 = vector.broadcast %jit3A_1126 : i32 to vector<16xi32>
    %min3A_1130 = arith.minsi %min3A_1129, %max3A_1128 : vector<16xi32>
    %add3A_1131 = arith.addi %min3A_1121, %min3A_1130 : vector<16xi32>
    %ge3A_1132 = arith.constant 30 : i32
    %ge3A_1133 = vector.broadcast %ge3A_1132 : i32 to vector<16xi32>
    %ge3A_1134 = arith.cmpi sge, %get3A_1111, %ge3A_1133 : vector<16xi32>
    %select_n3A_1135 = arith.select %ge3A_1134, %broadcast_in_dim3A_1113, %broadcast_in_dim3A_1115 : vector<16xi1>, vector<16xi32>
    %add3A_1136 = arith.addi %add3A_1131, %select_n3A_1135 : vector<16xi32>
    %ge3A_1137 = arith.constant 35 : i32
    %ge3A_1138 = vector.broadcast %ge3A_1137 : i32 to vector<16xi32>
    %ge3A_1139 = arith.cmpi sge, %get3A_1111, %ge3A_1138 : vector<16xi32>
    %select_n3A_1140 = arith.select %ge3A_1139, %broadcast_in_dim3A_1113, %broadcast_in_dim3A_1115 : vector<16xi1>, vector<16xi32>
    %add3A_1141 = arith.addi %add3A_1136, %select_n3A_1140 : vector<16xi32>
    %swap3A_1142 = arith.constant 0 : index
    %swap3A_1143 = tpu.vector_load %arg13[%swap3A_1142] {strides = array<i32>} : memref<64xi32, #tpu.memory_space<vmem>>, vector<16xi32>,
    %swap3A_1144 = vector.shape_cast %swap3A_1143 : vector<16xi32> to vector<16xi32>
    %swap3A_1145 = vector.shape_cast %add3A_1141 : vector<16xi32> to vector<16xi32>
    tpu.vector_store %arg13[%swap3A_1142], %swap3A_1145 {strides = array<i32>} : memref<64xi32, #tpu.memory_space<vmem>>, vector<16xi32>,
    %get3A_1146 = arith.constant 464 : index
    %get3A_1147 = tpu.vector_load %arg5[%get3A_1146] {strides = array<i32>} : memref<512xi32, #tpu.memory_space<vmem>>, vector<16xi32>,
    %get3A_1148 = vector.shape_cast %get3A_1147 : vector<16xi32> to vector<16xi32>
    %broadcast_in_dim3A_1149 = arith.constant 1 : i32
    %broadcast_in_dim3A_1150 = vector.broadcast %broadcast_in_dim3A_1149 : i32 to vector<16xi32>
    %broadcast_in_dim3A_1151 = arith.constant 0 : i32
    %broadcast_in_dim3A_1152 = vector.broadcast %broadcast_in_dim3A_1151 : i32 to vector<16xi32>
    %jit3A_1153 = arith.constant 0 : i32
    %jit3A_1154 = arith.constant 8 : i32
    %max3A_1155 = vector.broadcast %jit3A_1153 : i32 to vector<16xi32>
    %max3A_1156 = arith.maxsi %max3A_1155, %get3A_1148 : vector<16xi32>
    %min3A_1157 = vector.broadcast %jit3A_1154 : i32 to vector<16xi32>
    %min3A_1158 = arith.minsi %min3A_1157, %max3A_1156 : vector<16xi32>
    %sub3A_1159 = arith.constant 9 : i32
    %sub3A_1160 = vector.broadcast %sub3A_1159 : i32 to vector<16xi32>
    %sub3A_1161 = arith.subi %get3A_1148, %sub3A_1160 : vector<16xi32>
    %jit3A_1162 = arith.constant 0 : i32
    %jit3A_1163 = arith.constant 16 : i32
    %max3A_1164 = vector.broadcast %jit3A_1162 : i32 to vector<16xi32>
    %max3A_1165 = arith.maxsi %max3A_1164, %sub3A_1161 : vector<16xi32>
    %min3A_1166 = vector.broadcast %jit3A_1163 : i32 to vector<16xi32>
    %min3A_1167 = arith.minsi %min3A_1166, %max3A_1165 : vector<16xi32>
    %add3A_1168 = arith.addi %min3A_1158, %min3A_1167 : vector<16xi32>
    %ge3A_1169 = arith.constant 30 : i32
    %ge3A_1170 = vector.broadcast %ge3A_1169 : i32 to vector<16xi32>
    %ge3A_1171 = arith.cmpi sge, %get3A_1148, %ge3A_1170 : vector<16xi32>
    %select_n3A_1172 = arith.select %ge3A_1171, %broadcast_in_dim3A_1150, %broadcast_in_dim3A_1152 : vector<16xi1>, vector<16xi32>
    %add3A_1173 = arith.addi %add3A_1168, %select_n3A_1172 : vector<16xi32>
    %ge3A_1174 = arith.constant 35 : i32
    %ge3A_1175 = vector.broadcast %ge3A_1174 : i32 to vector<16xi32>
    %ge3A_1176 = arith.cmpi sge, %get3A_1148, %ge3A_1175 : vector<16xi32>
    %select_n3A_1177 = arith.select %ge3A_1176, %broadcast_in_dim3A_1150, %broadcast_in_dim3A_1152 : vector<16xi1>, vector<16xi32>
    %add3A_1178 = arith.addi %add3A_1173, %select_n3A_1177 : vector<16xi32>
    %swap3A_1179 = arith.constant 16 : index
    %swap3A_1180 = tpu.vector_load %arg13[%swap3A_1179] {strides = array<i32>} : memref<64xi32, #tpu.memory_space<vmem>>, vector<16xi32>,
    %swap3A_1181 = vector.shape_cast %swap3A_1180 : vector<16xi32> to vector<16xi32>
    %swap3A_1182 = vector.shape_cast %add3A_1178 : vector<16xi32> to vector<16xi32>
    tpu.vector_store %arg13[%swap3A_1179], %swap3A_1182 {strides = array<i32>} : memref<64xi32, #tpu.memory_space<vmem>>, vector<16xi32>,
    %get3A_1183 = arith.constant 480 : index
    %get3A_1184 = tpu.vector_load %arg5[%get3A_1183] {strides = array<i32>} : memref<512xi32, #tpu.memory_space<vmem>>, vector<16xi32>,
    %get3A_1185 = vector.shape_cast %get3A_1184 : vector<16xi32> to vector<16xi32>
    %broadcast_in_dim3A_1186 = arith.constant 1 : i32
    %broadcast_in_dim3A_1187 = vector.broadcast %broadcast_in_dim3A_1186 : i32 to vector<16xi32>
    %broadcast_in_dim3A_1188 = arith.constant 0 : i32
    %broadcast_in_dim3A_1189 = vector.broadcast %broadcast_in_dim3A_1188 : i32 to vector<16xi32>
    %jit3A_1190 = arith.constant 0 : i32
    %jit3A_1191 = arith.constant 8 : i32
    %max3A_1192 = vector.broadcast %jit3A_1190 : i32 to vector<16xi32>
    %max3A_1193 = arith.maxsi %max3A_1192, %get3A_1185 : vector<16xi32>
    %min3A_1194 = vector.broadcast %jit3A_1191 : i32 to vector<16xi32>
    %min3A_1195 = arith.minsi %min3A_1194, %max3A_1193 : vector<16xi32>
    %sub3A_1196 = arith.constant 9 : i32
    %sub3A_1197 = vector.broadcast %sub3A_1196 : i32 to vector<16xi32>
    %sub3A_1198 = arith.subi %get3A_1185, %sub3A_1197 : vector<16xi32>
    %jit3A_1199 = arith.constant 0 : i32
    %jit3A_1200 = arith.constant 16 : i32
    %max3A_1201 = vector.broadcast %jit3A_1199 : i32 to vector<16xi32>
    %max3A_1202 = arith.maxsi %max3A_1201, %sub3A_1198 : vector<16xi32>
    %min3A_1203 = vector.broadcast %jit3A_1200 : i32 to vector<16xi32>
    %min3A_1204 = arith.minsi %min3A_1203, %max3A_1202 : vector<16xi32>
    %add3A_1205 = arith.addi %min3A_1195, %min3A_1204 : vector<16xi32>
    %ge3A_1206 = arith.constant 30 : i32
    %ge3A_1207 = vector.broadcast %ge3A_1206 : i32 to vector<16xi32>
    %ge3A_1208 = arith.cmpi sge, %get3A_1185, %ge3A_1207 : vector<16xi32>
    %select_n3A_1209 = arith.select %ge3A_1208, %broadcast_in_dim3A_1187, %broadcast_in_dim3A_1189 : vector<16xi1>, vector<16xi32>
    %add3A_1210 = arith.addi %add3A_1205, %select_n3A_1209 : vector<16xi32>
    %ge3A_1211 = arith.constant 35 : i32
    %ge3A_1212 = vector.broadcast %ge3A_1211 : i32 to vector<16xi32>
    %ge3A_1213 = arith.cmpi sge, %get3A_1185, %ge3A_1212 : vector<16xi32>
    %select_n3A_1214 = arith.select %ge3A_1213, %broadcast_in_dim3A_1187, %broadcast_in_dim3A_1189 : vector<16xi1>, vector<16xi32>
    %add3A_1215 = arith.addi %add3A_1210, %select_n3A_1214 : vector<16xi32>
    %swap3A_1216 = arith.constant 32 : index
    %swap3A_1217 = tpu.vector_load %arg13[%swap3A_1216] {strides = array<i32>} : memref<64xi32, #tpu.memory_space<vmem>>, vector<16xi32>,
    %swap3A_1218 = vector.shape_cast %swap3A_1217 : vector<16xi32> to vector<16xi32>
    %swap3A_1219 = vector.shape_cast %add3A_1215 : vector<16xi32> to vector<16xi32>
    tpu.vector_store %arg13[%swap3A_1216], %swap3A_1219 {strides = array<i32>} : memref<64xi32, #tpu.memory_space<vmem>>, vector<16xi32>,
    %get3A_1220 = arith.constant 496 : index
    %get3A_1221 = tpu.vector_load %arg5[%get3A_1220] {strides = array<i32>} : memref<512xi32, #tpu.memory_space<vmem>>, vector<16xi32>,
    %get3A_1222 = vector.shape_cast %get3A_1221 : vector<16xi32> to vector<16xi32>
    %broadcast_in_dim3A_1223 = arith.constant 1 : i32
    %broadcast_in_dim3A_1224 = vector.broadcast %broadcast_in_dim3A_1223 : i32 to vector<16xi32>
    %broadcast_in_dim3A_1225 = arith.constant 0 : i32
    %broadcast_in_dim3A_1226 = vector.broadcast %broadcast_in_dim3A_1225 : i32 to vector<16xi32>
    %jit3A_1227 = arith.constant 0 : i32
    %jit3A_1228 = arith.constant 8 : i32
    %max3A_1229 = vector.broadcast %jit3A_1227 : i32 to vector<16xi32>
    %max3A_1230 = arith.maxsi %max3A_1229, %get3A_1222 : vector<16xi32>
    %min3A_1231 = vector.broadcast %jit3A_1228 : i32 to vector<16xi32>
    %min3A_1232 = arith.minsi %min3A_1231, %max3A_1230 : vector<16xi32>
    %sub3A_1233 = arith.constant 9 : i32
    %sub3A_1234 = vector.broadcast %sub3A_1233 : i32 to vector<16xi32>
    %sub3A_1235 = arith.subi %get3A_1222, %sub3A_1234 : vector<16xi32>
    %jit3A_1236 = arith.constant 0 : i32
    %jit3A_1237 = arith.constant 16 : i32
    %max3A_1238 = vector.broadcast %jit3A_1236 : i32 to vector<16xi32>
    %max3A_1239 = arith.maxsi %max3A_1238, %sub3A_1235 : vector<16xi32>
    %min3A_1240 = vector.broadcast %jit3A_1237 : i32 to vector<16xi32>
    %min3A_1241 = arith.minsi %min3A_1240, %max3A_1239 : vector<16xi32>
    %add3A_1242 = arith.addi %min3A_1232, %min3A_1241 : vector<16xi32>
    %ge3A_1243 = arith.constant 30 : i32
    %ge3A_1244 = vector.broadcast %ge3A_1243 : i32 to vector<16xi32>
    %ge3A_1245 = arith.cmpi sge, %get3A_1222, %ge3A_1244 : vector<16xi32>
    %select_n3A_1246 = arith.select %ge3A_1245, %broadcast_in_dim3A_1224, %broadcast_in_dim3A_1226 : vector<16xi1>, vector<16xi32>
    %add3A_1247 = arith.addi %add3A_1242, %select_n3A_1246 : vector<16xi32>
    %ge3A_1248 = arith.constant 35 : i32
    %ge3A_1249 = vector.broadcast %ge3A_1248 : i32 to vector<16xi32>
    %ge3A_1250 = arith.cmpi sge, %get3A_1222, %ge3A_1249 : vector<16xi32>
    %select_n3A_1251 = arith.select %ge3A_1250, %broadcast_in_dim3A_1224, %broadcast_in_dim3A_1226 : vector<16xi1>, vector<16xi32>
    %add3A_1252 = arith.addi %add3A_1247, %select_n3A_1251 : vector<16xi32>
    %swap3A_1253 = arith.constant 48 : index
    %swap3A_1254 = tpu.vector_load %arg13[%swap3A_1253] {strides = array<i32>} : memref<64xi32, #tpu.memory_space<vmem>>, vector<16xi32>,
    %swap3A_1255 = vector.shape_cast %swap3A_1254 : vector<16xi32> to vector<16xi32>
    %swap3A_1256 = vector.shape_cast %add3A_1252 : vector<16xi32> to vector<16xi32>
    tpu.vector_store %arg13[%swap3A_1253], %swap3A_1256 {strides = array<i32>} : memref<64xi32, #tpu.memory_space<vmem>>, vector<16xi32>,
    %dma_start3A_1257 = arith.constant 0 : i32
    %dma_start3A_1258 = arith.constant 0 : i32
    %dma_start3A_1259 = tpu.memref_slice %arg22[%dma_start3A_1257, %dma_start3A_1258] : memref<27x128xf32, #tpu.memory_space<vmem_shared>> -> memref<27x128xf32, #tpu.memory_space<vmem_shared>>
    tpu.enqueue_indirect_dma source(%dma_start3A_1259 : memref<27x128xf32, #tpu.memory_space<vmem_shared>>) target(%arg21 : memref<64x128xf32, #tpu.memory_space<vmem>>) offsets(%arg13 : memref<64xi32, #tpu.memory_space<vmem>>) semaphore(%arg30 : memref<!tpu.dma_semaphore, #tpu.memory_space<semaphore_mem>>)
    %dma_wait3A_1260 = arith.constant 0 : i32
    %dma_wait3A_1261 = arith.constant 0 : i32
    %dma_wait3A_1262 = tpu.memref_slice %arg22[%dma_wait3A_1260, %dma_wait3A_1261] : memref<27x128xf32, #tpu.memory_space<vmem_shared>> -> memref<27x128xf32, #tpu.memory_space<vmem_shared>>
    tpu.wait_indirect_dma semaphore(%arg29 : memref<!tpu.dma_semaphore, #tpu.memory_space<semaphore_mem>>) src(%dma_wait3A_1262 : memref<27x128xf32, #tpu.memory_space<vmem_shared>>) dst(%arg20 : memref<64x128xf32, #tpu.memory_space<vmem>>)
    %add3A_1263 = arith.constant 384 : i32
    %add3A_1264 = arith.addi %mul3A_2, %add3A_1263 : i32
    %dma_start3A_1265 = arith.constant 0 : i32
    %dma_start3A_1266 = tpu.memref_slice %arg4[%add3A_1264, %dma_start3A_1265] : memref<16384x128xf32, #tpu.memory_space<hbm>> -> memref<64x128xf32, #tpu.memory_space<hbm>>
    %dma_start3A_1267 = arith.constant 0 : i32
    %dma_start3A_1268 = tpu.memref_slice %arg4[%add3A_1264, %dma_start3A_1267] : memref<16384x128xf32, #tpu.memory_space<hbm>> -> memref<64x128xf32, #tpu.memory_space<hbm>>
    tpu.enqueue_dma source(%arg20 : memref<64x128xf32, #tpu.memory_space<vmem>>) target(%dma_start3A_1268 : memref<64x128xf32, #tpu.memory_space<hbm>>) target_semaphore(%arg32 : memref<!tpu.dma_semaphore, #tpu.memory_space<semaphore_mem>>)
    %dma_wait3A_1269 = arith.constant 0 : i32
    %dma_wait3A_1270 = arith.constant 0 : i32
    %dma_wait3A_1271 = tpu.memref_slice %arg22[%dma_wait3A_1269, %dma_wait3A_1270] : memref<27x128xf32, #tpu.memory_space<vmem_shared>> -> memref<27x128xf32, #tpu.memory_space<vmem_shared>>
    tpu.wait_indirect_dma semaphore(%arg30 : memref<!tpu.dma_semaphore, #tpu.memory_space<semaphore_mem>>) src(%dma_wait3A_1271 : memref<27x128xf32, #tpu.memory_space<vmem_shared>>) dst(%arg21 : memref<64x128xf32, #tpu.memory_space<vmem>>)
    %add3A_1272 = arith.constant 448 : i32
    %add3A_1273 = arith.addi %mul3A_2, %add3A_1272 : i32
    %dma_start3A_1274 = arith.constant 0 : i32
    %dma_start3A_1275 = tpu.memref_slice %arg4[%add3A_1273, %dma_start3A_1274] : memref<16384x128xf32, #tpu.memory_space<hbm>> -> memref<64x128xf32, #tpu.memory_space<hbm>>
    %dma_start3A_1276 = arith.constant 0 : i32
    %dma_start3A_1277 = tpu.memref_slice %arg4[%add3A_1273, %dma_start3A_1276] : memref<16384x128xf32, #tpu.memory_space<hbm>> -> memref<64x128xf32, #tpu.memory_space<hbm>>
    tpu.enqueue_dma source(%arg21 : memref<64x128xf32, #tpu.memory_space<vmem>>) target(%dma_start3A_1277 : memref<64x128xf32, #tpu.memory_space<hbm>>) target_semaphore(%arg32 : memref<!tpu.dma_semaphore, #tpu.memory_space<semaphore_mem>>)
    %dma_wait3A_1278 = arith.constant 0 : i32
    %dma_wait3A_1279 = tpu.memref_slice %arg4[%add3A_304, %dma_wait3A_1278] : memref<16384x128xf32, #tpu.memory_space<hbm>> -> memref<64x128xf32, #tpu.memory_space<hbm>>
    %dma_wait3A_1280 = arith.constant 0 : i32
    %dma_wait3A_1281 = tpu.memref_slice %arg4[%add3A_304, %dma_wait3A_1280] : memref<16384x128xf32, #tpu.memory_space<hbm>> -> memref<64x128xf32, #tpu.memory_space<hbm>>
    tpu.wait_dma2 semaphore(%arg32 : memref<!tpu.dma_semaphore, #tpu.memory_space<semaphore_mem>>) src(%arg14 : memref<64x128xf32, #tpu.memory_space<vmem>>) dst(%dma_wait3A_1281 : memref<64x128xf32, #tpu.memory_space<hbm>>)
    %dma_wait3A_1282 = arith.constant 0 : i32
    %dma_wait3A_1283 = tpu.memref_slice %arg4[%add3A_464, %dma_wait3A_1282] : memref<16384x128xf32, #tpu.memory_space<hbm>> -> memref<64x128xf32, #tpu.memory_space<hbm>>
    %dma_wait3A_1284 = arith.constant 0 : i32
    %dma_wait3A_1285 = tpu.memref_slice %arg4[%add3A_464, %dma_wait3A_1284] : memref<16384x128xf32, #tpu.memory_space<hbm>> -> memref<64x128xf32, #tpu.memory_space<hbm>>
    tpu.wait_dma2 semaphore(%arg32 : memref<!tpu.dma_semaphore, #tpu.memory_space<semaphore_mem>>) src(%arg15 : memref<64x128xf32, #tpu.memory_space<vmem>>) dst(%dma_wait3A_1285 : memref<64x128xf32, #tpu.memory_space<hbm>>)
    %dma_wait3A_1286 = arith.constant 0 : i32
    %dma_wait3A_1287 = tpu.memref_slice %arg4[%add3A_624, %dma_wait3A_1286] : memref<16384x128xf32, #tpu.memory_space<hbm>> -> memref<64x128xf32, #tpu.memory_space<hbm>>
    %dma_wait3A_1288 = arith.constant 0 : i32
    %dma_wait3A_1289 = tpu.memref_slice %arg4[%add3A_624, %dma_wait3A_1288] : memref<16384x128xf32, #tpu.memory_space<hbm>> -> memref<64x128xf32, #tpu.memory_space<hbm>>
    tpu.wait_dma2 semaphore(%arg32 : memref<!tpu.dma_semaphore, #tpu.memory_space<semaphore_mem>>) src(%arg16 : memref<64x128xf32, #tpu.memory_space<vmem>>) dst(%dma_wait3A_1289 : memref<64x128xf32, #tpu.memory_space<hbm>>)
    %dma_wait3A_1290 = arith.constant 0 : i32
    %dma_wait3A_1291 = tpu.memref_slice %arg4[%add3A_784, %dma_wait3A_1290] : memref<16384x128xf32, #tpu.memory_space<hbm>> -> memref<64x128xf32, #tpu.memory_space<hbm>>
    %dma_wait3A_1292 = arith.constant 0 : i32
    %dma_wait3A_1293 = tpu.memref_slice %arg4[%add3A_784, %dma_wait3A_1292] : memref<16384x128xf32, #tpu.memory_space<hbm>> -> memref<64x128xf32, #tpu.memory_space<hbm>>
    tpu.wait_dma2 semaphore(%arg32 : memref<!tpu.dma_semaphore, #tpu.memory_space<semaphore_mem>>) src(%arg17 : memref<64x128xf32, #tpu.memory_space<vmem>>) dst(%dma_wait3A_1293 : memref<64x128xf32, #tpu.memory_space<hbm>>)
    %dma_wait3A_1294 = arith.constant 0 : i32
    %dma_wait3A_1295 = tpu.memref_slice %arg4[%add3A_944, %dma_wait3A_1294] : memref<16384x128xf32, #tpu.memory_space<hbm>> -> memref<64x128xf32, #tpu.memory_space<hbm>>
    %dma_wait3A_1296 = arith.constant 0 : i32
    %dma_wait3A_1297 = tpu.memref_slice %arg4[%add3A_944, %dma_wait3A_1296] : memref<16384x128xf32, #tpu.memory_space<hbm>> -> memref<64x128xf32, #tpu.memory_space<hbm>>
    tpu.wait_dma2 semaphore(%arg32 : memref<!tpu.dma_semaphore, #tpu.memory_space<semaphore_mem>>) src(%arg18 : memref<64x128xf32, #tpu.memory_space<vmem>>) dst(%dma_wait3A_1297 : memref<64x128xf32, #tpu.memory_space<hbm>>)
    %dma_wait3A_1298 = arith.constant 0 : i32
    %dma_wait3A_1299 = tpu.memref_slice %arg4[%add3A_1104, %dma_wait3A_1298] : memref<16384x128xf32, #tpu.memory_space<hbm>> -> memref<64x128xf32, #tpu.memory_space<hbm>>
    %dma_wait3A_1300 = arith.constant 0 : i32
    %dma_wait3A_1301 = tpu.memref_slice %arg4[%add3A_1104, %dma_wait3A_1300] : memref<16384x128xf32, #tpu.memory_space<hbm>> -> memref<64x128xf32, #tpu.memory_space<hbm>>
    tpu.wait_dma2 semaphore(%arg32 : memref<!tpu.dma_semaphore, #tpu.memory_space<semaphore_mem>>) src(%arg19 : memref<64x128xf32, #tpu.memory_space<vmem>>) dst(%dma_wait3A_1301 : memref<64x128xf32, #tpu.memory_space<hbm>>)
    %dma_wait3A_1302 = arith.constant 0 : i32
    %dma_wait3A_1303 = tpu.memref_slice %arg4[%add3A_1264, %dma_wait3A_1302] : memref<16384x128xf32, #tpu.memory_space<hbm>> -> memref<64x128xf32, #tpu.memory_space<hbm>>
    %dma_wait3A_1304 = arith.constant 0 : i32
    %dma_wait3A_1305 = tpu.memref_slice %arg4[%add3A_1264, %dma_wait3A_1304] : memref<16384x128xf32, #tpu.memory_space<hbm>> -> memref<64x128xf32, #tpu.memory_space<hbm>>
    tpu.wait_dma2 semaphore(%arg32 : memref<!tpu.dma_semaphore, #tpu.memory_space<semaphore_mem>>) src(%arg20 : memref<64x128xf32, #tpu.memory_space<vmem>>) dst(%dma_wait3A_1305 : memref<64x128xf32, #tpu.memory_space<hbm>>)
    %dma_wait3A_1306 = arith.constant 0 : i32
    %dma_wait3A_1307 = tpu.memref_slice %arg4[%add3A_1273, %dma_wait3A_1306] : memref<16384x128xf32, #tpu.memory_space<hbm>> -> memref<64x128xf32, #tpu.memory_space<hbm>>
    %dma_wait3A_1308 = arith.constant 0 : i32
    %dma_wait3A_1309 = tpu.memref_slice %arg4[%add3A_1273, %dma_wait3A_1308] : memref<16384x128xf32, #tpu.memory_space<hbm>> -> memref<64x128xf32, #tpu.memory_space<hbm>>
    tpu.wait_dma2 semaphore(%arg32 : memref<!tpu.dma_semaphore, #tpu.memory_space<semaphore_mem>>) src(%arg21 : memref<64x128xf32, #tpu.memory_space<vmem>>) dst(%dma_wait3A_1309 : memref<64x128xf32, #tpu.memory_space<hbm>>)
    return
  }
}

</mosaic_0001>

<sc_bundles>
// kernel: kernel.3.cloned.1.call-start
scs
__scs_entry_jumppad:
0x0: {  	(pc) =	sbr.rel $0x88, $3  }
0x1: {  	(tag) =	ssettag $0x0;
	lr =	simm.s32 $0x1  }
0x2: {  	[smem:$0x3F9F] =	sst lr;
	_ =	strace $0xD0000000  }
0x3: {  	_ = 	snop  }
0x4: {  	_ = 	snop  }
0x5: {  	_ = 	snop  }
0x6: {  	_ = 	snop  }
0x7: {  	_ = 	snop  }
__scs_overlays_trampoline_lowered:
0x8: {  	[smem:$0x3FAE] =	sst s0  }
0x9: {  	[smem:$0x3FAF] =	sst s1  }
0xa: {  	[smem:$0x3FB0] =	sst s2  }
0xb: {  	[smem:$0x3FB1] =	sst s3  }
0xc: {  	[smem:$0x3FB2] =	sst s4  }
0xd: {  	[smem:$0x3FB3] =	sst s5  }
0xe: {  	[smem:$0x3FB4] =	sst s6  }
0xf: {  	[smem:$0x3FB5] =	sst s7  }
0x10: {  	[smem:$0x3FB6] =	sst s8  }
0x11: {  	[smem:$0x3FB7] =	sst s9;
	s0 =	simm.s32 @!p0 $0x0  }
0x12: {  	s1 =	sld [smem:$0x3F9D];
	s0 =	simm.s32 @p0 $0x1  }
0x13: {  	[smem:$0x3FB8] =	sst s0;
	s0 =	simm.s32 @!p1 $0x0  }
0x14: {  	s2 =	sld [smem:$0x3F9C];
	s0 =	simm.s32 @p1 $0x1  }
0x15: {  	[smem:$0x3FB9] =	sst s0;
	s0 =	simm.s32 @!p2 $0x0  }
0x16: {  	s3 =	sld [smem:$0x3FDB];
	s0 =	simm.s32 @p2 $0x1  }
0x17: {  	s4 =	simm.s32 $0x1BF5;
	[smem:$0x3FBB] =	sst s0  }
0x18: {  	s0 =	sld [smem:$0x3F9E];
	_ =	swait.ge [sflag:s4], $0x0  }
0x19: {  	s7 =	sld [smem:$0x3F9F]  }
0x1a: {  	s8 =	sadd.s32 $0xFFFFE003, lr  }
0x1b: {  	s9 =	sadd.s32 $0xFFFFFEF7, lr;
	s5 =	simm.s32 $0xFFFFFFFF;
	p2 =	slt.u32 s8, $0xFFFFF086  }
0x1c: {  	p1 =	slt.u32 s9, $0xF7A;
	s5 =	simm.s32 @!p2 $0x0  }
0x1d: {  	s5 =	simm.s32 @p1 $0x1;
	p0 =	seq.s32 s7, s2  }
0x1e: {  	s7 =	smul.u32 @!p0 $0xF7A, s2;
	p2 =	seq.s32 @!p0 s5, $0x0  }
0x1f: {  	s9 =	smul.u32 $0xF7A, s1;
	s8 =	simm.s32 @!p0 $0x1BF5;
	p2 =	por !p2, p0  }
0x20: {  	[sflag:s8] =	ssyncset.s32 @!p0 $0xFFFFF086;
	s6 =	sadd.s32 @!p0 s3, s7;
	s7 =	simm.s32 @!p0 $0x108  }
0x21: {  	s3 =	sadd.s32 s3, s9;
	s6 =	sadd.s32 @!p0 $0x88, s6;
	s7 =	simm.s32 @p2 $0x1082  }
0x22: {  	[simem:s7], [sflag:s8] =	dma.local @!p0 [hbm:s6], $0xF7A  }
0x23: {  	s9 =	sor.u32 $0xD0000000, s2;
	s6 =	simm.s32 $0x108;
	_ =	swait.ge @!p0 [sflag:s8], $0x0  }
0x24: {  	s3 =	sadd.s32 $0x88, s3;
	s6 =	simm.s32 @!p1 $0x1082;
	[sflag:s4] =	ssyncset.s32 $0xFFFFF086  }
0x25: {  	[simem:s6], [sflag:s4] =	dma.local [hbm:s3], $0xF7A  }
0x26: {  	[smem:$0x3F9F] =	sst s1;
	(tag) =	ssettag s2;
	_ =	strace s9  }
0x27: {  	s1 =	sld [smem:$0x3FAF]  }
0x28: {  	s2 =	sld [smem:$0x3FB0]  }
0x29: {  	s4 =	sld [smem:$0x3FB2]  }
0x2a: {  	p0 =	seq.s32 s5, $0x0;
	s5 =	sld [smem:$0x3FB3]  }
0x2b: {  	s6 =	sld [smem:$0x3FB4]  }
0x2c: {  	s7 =	sld [smem:$0x3FB5]  }
0x2d: {  	s3 =	simm.s32 $0x108;
	s8 =	sld [smem:$0x3FB6]  }
0x2e: {  	s3 =	simm.s32 @!p0 $0x1082;
	s9 =	sld [smem:$0x3FB7]  }
0x2f: {  	lr =	sadd.s32 s0, s3;
	s0 =	sld [smem:$0x3FAE]  }
0x30: {  	s3 =	sld [smem:$0x3FB1]  }
0x31: {  	[smem:$0x3FBA] =	sst s10  }
0x32: {  	s10 =	sld [smem:$0x3FB8];
	_ =	sdelay $0x3  }
0x33: {  	p0 =	seq.s32 s10, $0x1;
	s10 =	sld [smem:$0x3FBA];
	_ =	sdelay $0x3  }
0x34: {  	[smem:$0x3FBA] =	sst s10  }
0x35: {  	s10 =	sld [smem:$0x3FB9];
	_ =	sdelay $0x3  }
0x36: {  	p1 =	seq.s32 s10, $0x1;
	s10 =	sld [smem:$0x3FBA];
	_ =	sdelay $0x3  }
0x37: {  	[smem:$0x3FBA] =	sst s10  }
0x38: {  	s10 =	sld [smem:$0x3FBB]  }
0x39: {  	_ = 	snop;
	(pc) =	sbr.ind lr, $3  }
0x3a: {  	_ = 	snop  }
0x3b: {  	_ = 	snop  }
0x3c: {  	p2 =	seq.s32 s10, $0x1;
	s10 =	sld [smem:$0x3FBA]  }
0x3d: {  	_ =	shalt  }
0x3e: {  	_ =	shalt  }
0x3f: {  	_ =	shalt  }
0x40: {  	_ =	shalt  }
0x41: {  	_ =	shalt  }
0x42: {  	_ =	shalt  }
0x43: {  	_ =	shalt  }
0x44: {  	_ =	shalt  }
0x45: {  	_ =	shalt  }
0x46: {  	_ =	shalt  }
0x47: {  	_ =	shalt  }
0x48: {  	_ =	shalt  }
0x49: {  	_ =	shalt  }
0x4a: {  	_ =	shalt  }
0x4b: {  	_ =	shalt  }
0x4c: {  	_ =	shalt  }
0x4d: {  	_ =	shalt  }
0x4e: {  	_ =	shalt  }
0x4f: {  	_ =	shalt  }
0x50: {  	_ =	shalt  }
0x51: {  	_ =	shalt  }
0x52: {  	_ =	shalt  }
0x53: {  	_ =	shalt  }
0x54: {  	_ =	shalt  }
0x55: {  	_ =	shalt  }
0x56: {  	_ =	shalt  }
0x57: {  	_ =	shalt  }
0x58: {  	_ =	shalt  }
0x59: {  	_ =	shalt  }
0x5a: {  	_ =	shalt  }
0x5b: {  	_ =	shalt  }
0x5c: {  	_ =	shalt  }
0x5d: {  	_ =	shalt  }
0x5e: {  	_ =	shalt  }
0x5f: {  	_ =	shalt  }
0x60: {  	_ =	shalt  }
0x61: {  	_ =	shalt  }
0x62: {  	_ =	shalt  }
0x63: {  	_ =	shalt  }
0x64: {  	_ =	shalt  }
0x65: {  	_ =	shalt  }
0x66: {  	_ =	shalt  }
0x67: {  	_ =	shalt  }
0x68: {  	_ =	shalt  }
0x69: {  	_ =	shalt  }
0x6a: {  	_ =	shalt  }
0x6b: {  	_ =	shalt  }
0x6c: {  	_ =	shalt  }
0x6d: {  	_ =	shalt  }
0x6e: {  	_ =	shalt  }
0x6f: {  	_ =	shalt  }
0x70: {  	_ =	shalt  }
0x71: {  	_ =	shalt  }
0x72: {  	_ =	shalt  }
0x73: {  	_ =	shalt  }
0x74: {  	_ =	shalt  }
0x75: {  	_ =	shalt  }
0x76: {  	_ =	shalt  }
0x77: {  	_ =	shalt  }
0x78: {  	_ =	shalt  }
0x79: {  	_ =	shalt  }
0x7a: {  	_ =	shalt  }
0x7b: {  	_ =	shalt  }
0x7c: {  	_ =	shalt  }
0x7d: {  	_ =	shalt  }
0x7e: {  	_ =	shalt  }
0x7f: {  	_ =	shalt  }
0x80: {  	_ =	shalt  }
0x81: {  	_ =	shalt  }
0x82: {  	_ =	shalt  }
0x83: {  	_ =	shalt  }
0x84: {  	_ =	shalt  }
0x85: {  	_ =	shalt  }
0x86: {  	_ =	shalt  }
0x87: {  	_ =	shalt  }
.Lfunc_end0:
.L_simem_size_0:
called_computation_lowered:
.L_overlay_start_0:
0x88: {  	s2 =	sld [smem:$0x3FD9]  }
0x89: {  	s3 =	sld [smem:$0x3FFE];
	_ =	sdelay $0x1  }
0x8a: {  	s1 =	srdreg.scid  }
0x8b: {  	s0 =	sand.u32 $0x1, s1  }
0x8c: {  	s18 =	sshll.u32 s0, $0xA;
	s2 =	sadd.s32 s3, s2  }
0x8d: {  	s2 =	sadd.s32 s2, s18  }
0x8e: {  	[smem:$0x3FC6] =	sst s2  }
0x8f: {  	_ = 	snop  }
0x90: {  	s2 =	sld [smem:$0x3FC9]  }
0x91: {  	s19 =	sld [smem:$0x3FC8]  }
0x92: {  	s4 =	sld [smem:$0x3FD0];
	(tm) =	ssettm $0x1  }
0x93: {  	s5 =	sld [smem:$0x3FFB];
	_ =	sdelay $0x3  }
0x94: {  	_ =	strace s5  }
0x95: {  	s5 =	sld [smem:$0x3FFC];
	_ =	sdelay $0x3  }
0x96: {  	_ =	strace s5  }
0x97: {  	s5 =	sld [smem:$0x3FFD];
	_ =	sdelay $0x3  }
0x98: {  	_ =	strace s5  }
0x99: {  	_ =	strace $0x8FFFFFFF  }
0x9a: {  	s20 =	sld [smem:$0x3FDB];
	_ =	sdelay $0x1  }
0x9b: {  	s6 =	simm.s32 $_scs_section_size  }
0x9c: {  	s7 =	simm.s32 $_size__tile_overlayer_lowered;
	s8 =	simm.s32 $_tile_overlayer_lowered  }
0x9d: {  	s23 =	simm.s32 $0x1BFF;
	s22 =	sshll.u32 s8, $0x1;
	s5 =	sadd.s32 s6, s20  }
0x9e: {  	s9 =	simm.s32 $0x0;
	s21 =	sshll.u32 s7, $0x1;
	s7 =	sadd.s32 s22, s5  }
0x9f: {  	[timem:s9], [sflag:s23] =	dma.local [hbm:s7], s21  }
0xa0: {  	_ =	swait.ge [sflag:s23], s21  }
0xa1: {  	s6 =	ssub.s32 $0x0, s21;
	[sflag:s23] =	ssyncset.done $0x0  }
0xa2: {  	[sflag:s23] =	ssyncadd.s32 s6;
	_ =	sdelay $0x1  }
0xa3: {  	s24 =	simm.s32 $0x1B8B  }
0xa4: {  	_ =	swait.ge [sflag:s24], $0x1  }
0xa5: {  	[sflag:s24] =	ssyncset.done $0x0  }
0xa6: {  	s25 =	simm.s32 $0x1B8E;
	[sflag:s24] =	ssyncadd.s32 $0xFFFFFFFF  }
0xa7: {  	s26 =	simm.s32 $execute0_lowered;
	[smem:$0x3FD2] =	sst s25  }
0xa8: {  	s6 =	sshll.u32 s26, $0x1;
	_ =	strace $0x80000046;
	[dreg:$0x1] =	wrdreg $0xFFFFFFFF  }
0xa9: {  	s28 =	simm.s32 $_size_execute0_lowered;
	s5 =	sadd.s32 s5, s6;
	[dreg:$0x0] =	wrdreg $0x0  }
0xaa: {  	s6 =	sshll.u32 s28, $0x1;
	[dreg:$0x2] =	wrdreg s5  }
0xab: {  	[dreg:$0x3] =	wrdreg s6  }
0xac: {  	[dreg:$0x4] =	wrdreg $0xC0  }
0xad: {  	_ =	task [dreg:s9], $0x5FFFF  }
0xae: {  	[dreg:$0x1] =	wrdreg $0xFFFFFFFF  }
0xaf: {  	[dreg:$0x0] =	wrdreg $0x60  }
0xb0: {  	[dreg:$0x2] =	wrdreg s2  }
0xb1: {  	[dreg:$0x3] =	wrdreg s19  }
0xb2: {  	[dreg:$0x4] =	wrdreg s4  }
0xb3: {  	[dreg:$0x5] =	wrdreg $0x106000  }
0xb4: {  	[dreg:$0x6] =	wrdreg $0x9  }
0xb5: {  	_ =	task.clear_ibuf [dreg:s9], $0x7FFFF;
	_ =	strace $0x90000046  }
0xb6: {  	s29 =	simm.s32 $0x9;
	_ =	strace $0x80000048  }
0xb7: {  	_ =	swait.ge [sflag:s29], $0x1  }
0xb8: {  	[sflag:s29] =	ssyncadd.s32 $0xFFFFFFFF  }
0xb9: {  	_ =	strace $0x90000048  }
0xba: {  	_ =	sfence  }
0xbb: {  	s30 =	sld [smem:$0x0];
	_ =	sdelay $0x2  }
0xbc: {  	s31 =	sshll.u32 s1, $0xD;
	s1 =	sshrl.u32 s1, $0x2  }
0xbd: {  	s3 =	sand.u32 $0x4000, s31;
	s1 =	sadd.s32 s1, s30  }
0xbe: {  	s0 =	sor.u32 s3, s0;
	s1 =	sshll.u32 s1, $0x11  }
0xbf: {  	s0 =	sor.u32 s1, s0  }
0xc0: {  	s0 =	sadd.s32 $0x8F2B, s0  }
0xc1: {  	[sflag:s0] =	ssyncadd.remote.s32 $0x1  }
0xc2: {  	_ =	sfence.sel $0xFFFF  }
0xc3: {  	[dreg:$0x0] =	wrdreg $0xFFFFFFFF;
	(pc) =	sbr.abs _section_cstart, $3  }
0xc4: {  	[dreg:$0x1] =	wrdreg $0xFFFFFFFF  }
0xc5: {  	_ =	task.clear_ibuf [dreg:s9], $0x2FFFF;
	_ =	strace $0x9FFFFFFF  }
0xc6: {  	(tm) =	ssettm $0x7FFFFFFF  }
0xc7: {  	_ =	shalt  }
tec
execute0_lowered:
.L_overlay_start_1:
0x0: {  	(tag) =	ssettag $0x1  }
0x1: {  	s3 =	rddreg [dreg:$0x0]  }
0x2: {  	s0 =	rddreg [dreg:$0x1]  }
0x3: {  	s18 =	srdreg.scid;
	s4 =	rddreg [dreg:$0x2]  }
0x4: {  	s5 =	stileid.u32;
	s1 =	rddreg [dreg:$0x3];
	s2 =	simm.s32 $0x0  }
0x5: {  	s30 =	simm.s32 $0x200;
	s31 =	simm.s32 $0x280;
	s10 =	simm.s32 $0x300  }
0x6: {  	s9 =	simm.s32 $0x1;
	s11 =	simm.s32 $0x2;
	s12 =	simm.s32 $0x380  }
0x7: {  	s13 =	simm.s32 $0x6600;
	s14 =	simm.s32 $0x3;
	s15 =	simm.s32 $0x400  }
0x8: {  	s16 =	simm.s32 $0x8600;
	s17 =	simm.s32 $0x4;
	s28 =	simm.s32 $0x8  }
0x9: {  	s29 =	simm.s32 $0xA;
	[dreg:$0x5] =	wrdreg s0;
	s6 =	sand.u32 $0x1, s18  }
0xa: {  	s7 =	sshll.u32 s5, $0xA;
	[smem:$0x7FF] =	sst s2;
	p0 =	sne.s32 s5, $0x0  }
0xb: {  	s8 =	sshll.u32 s6, $0x9;
	_ =	strace $0x80000047;
	[dreg:$0xf] =	wrdreg s30  }
0xc: {  	s6 =	ssub.s32 $0x2, s6;
	[dreg:$0x10] =	wrdreg s31;
	s7 =	sor.u32 s8, s7  }
0xd: {  	[dreg:$0x11] =	wrdreg s10;
	s23 =	sshrl.u32 s6, $0x1;
	s8 =	sshrl.u32 s7, $0x3  }
0xe: {  	s7 =	sshll.u32 s7, $0x4;
	s26 =	ssub.s32 s6, s23;
	s6 =	sshrl.u32 @!p0 s1, $0x3  }
0xf: {  	s8 =	sadd.s32 s3, s8;
	s3 =	sadd.s32 s4, s7;
	[dreg:$0xe] =	wrdreg s6  }
0x10: {  	s5 =	simm.s32 $0x9;
	[dreg:$0x6] =	wrdreg s8;
	s4 =	sadd.s32 $0x400, s3  }
0x11: {  	s18 =	simm.s32 $0x480;
	s19 =	sadd.s32 $0x800, s3;
	[dreg:$0x7] =	wrdreg s4  }
0x12: {  	s10 =	simm.s32 $0x4600;
	s20 =	sadd.s32 $0xC00, s3;
	[dreg:$0x8] =	wrdreg s19  }
0x13: {  	s23 =	simm.s32 $0x6;
	s21 =	sadd.s32 $0x1000, s3;
	[dreg:$0x9] =	wrdreg s20  }
0x14: {  	s6 =	simm.s32 $0x40;
	s22 =	sadd.s32 $0x1400, s3;
	[dreg:$0xa] =	wrdreg s21  }
0x15: {  	s7 =	simm.s32 $0x600;
	s24 =	sadd.s32 $0x1800, s3;
	[dreg:$0xb] =	wrdreg s22  }
0x16: {  	s25 =	sadd.s32 $0x1C00, s3;
	s8 =	simm.s32 $0x2600;
	[dreg:$0xc] =	wrdreg s24  }
0x17: {  	[dreg:$0xd] =	wrdreg s25;
	s4 =	smax.u32 s26, $0x1;
	s19 =	simm.s32 $0xA600  }
0x18: {  	s20 =	simm.s32 $0x5;
	s21 =	simm.s32 $0x500;
	s22 =	simm.s32 $0xC600  }
0x19: {  	v0 =	vimm.s32 $0x0;
	s24 =	simm.s32 $0x580;
	s25 =	simm.s32 $0xE600;
	s26 =	simm.s32 $0x7  }
.LBB2_1:
0x1a: {  	s30 =	rddreg [dreg:$0x6]  }
0x1b: {  	s31 =	rddreg [dreg:$0x5]  }
0x1c: {  	[tilespmem:s2], [sflag:$0x9] =	stream.linear.gather [hbm4b:s30+s2], $0x200, $0x38;
	[tilespmem:$0x106D8] =	vst v63  }
0x1d: {  	s0 =	rddreg [dreg:$0xe];
	s30 =	simm.s32 @!p0 $0x1C0B  }
0x1e: {  	[spmem:s0], [sflag:s30] =	dma.local @!p0 [hbm:s31], $0x1B0  }
0x1f: {  	s0 =	simm.s32 @!p0 $0xB  }
0x20: {  	_ =	swait.ge @!p0 [sflag:s0], $0x1B0  }
0x21: {  	[sflag:s0] =	ssyncset.done @!p0 $0x0  }
0x22: {  	[sflag:s0] =	ssyncadd.s32 @!p0 $0xFFFFFE50  }
0x23: {  	[bflag:$0x0] =	sbarrier.arrive $0xFFFF  }
0x24: {  	_ =	swait.ge [sflag:s5], $0x200  }
0x25: {  	[sflag:s5] =	ssyncset.done $0x0  }
0x26: {  	[sflag:s5] =	ssyncadd.s32 $0xFFFFFE00  }
0x27: {  	v1 =	vld [tilespmem:$0x0];
	_ =	sdelay $0x1  }
0x28: {  	v2 =	vld [tilespmem:$0x10]  }
0x29: {  	v7 =	vld [tilespmem:$0x20]  }
0x2a: {  	v39 =	vld [tilespmem:$0x30]  }
0x2b: {  	vm0 =	vgt.s32 v1, $0x0  }
0x2c: {  	v3 =	vadd.s32 $0xFFFFFFF7, v1;
	vm10 =	vgt.s32 v1, $0x1D;
	vm11 =	vgt.s32 v1, $0x22  }
0x2d: {  	vm12 =	vgt.s32 v2, $0x0;
	v6 =	vadd.s32 $0xFFFFFFF7, v2;
	vm14 =	vgt.s32 v2, $0x1D  }
0x2e: {  	vm15 =	vgt.s32 v2, $0x22;
	vm4 =	vgt.s32 v7, $0x0;
	vm6 =	vgt.s32 v7, $0x1D  }
0x2f: {  	vm7 =	vgt.s32 v7, $0x22;
	vm8 =	vgt.s32 v39, $0x0;
	v8 =	vadd.s32 $0xFFFFFFF7, v39  }
0x30: {  	v4 =	vnsel vm0, $0x0, v1;
	vm9 =	vgt.s32 v3, $0x0;
	v5 =	vsel vm10, $0x1, v0  }
0x31: {  	v1 =	vsel vm11, $0x1, v0;
	v36 =	vnsel vm12, $0x0, v2;
	vm13 =	vgt.s32 v6, $0x0  }
0x32: {  	v38 =	vsel vm15, $0x1, v0;
	v40 =	vnsel vm4, $0x0, v7;
	v42 =	vsel vm6, $0x1, v0  }
0x33: {  	v9 =	vnsel vm8, $0x0, v39;
	vm10 =	vgt.s32 v39, $0x1D;
	vm11 =	vgt.s32 v39, $0x22  }
0x34: {  	v4 =	vmin.u32 v4, $0x8;
	v3 =	vnsel vm9, $0x0, v3;
	v37 =	vnsel vm13, $0x0, v6  }
0x35: {  	v2 =	vmin.u32 v36, $0x8;
	v41 =	vmin.u32 v40, $0x8;
	vm9 =	vgt.s32 v8, $0x0  }
0x36: {  	v44 =	vmin.u32 v9, $0x8;
	v45 =	vsel vm10, $0x1, v0;
	v4 =	vadd.s32 v5, v4  }
0x37: {  	v46 =	vsel vm11, $0x1, v0;
	v3 =	vmin.u32 v3, $0x10;
	v1 =	vadd.s32 v1, v4  }
0x38: {  	v43 =	vnsel vm9, $0x0, v8;
	v1 =	vadd.s32 v3, v1;
	v3 =	vsel vm14, $0x1, v0  }
0x39: {  	v4 =	vmin.u32 v37, $0x10;
	v2 =	vadd.s32 v3, v2;
	v3 =	vadd.s32 $0xFFFFFFF7, v7  }
0x3a: {  	v7 =	vsel vm7, $0x1, v0;
	v2 =	vadd.s32 v38, v2;
	vm5 =	vgt.s32 v3, $0x0  }
0x3b: {  	v2 =	vadd.s32 v4, v2;
	v3 =	vnsel vm5, $0x0, v3;
	v4 =	vadd.s32 v42, v41  }
0x3c: {  	v47 =	vadd.s32 v45, v44;
	[tilespmem:$0x200] =	vst v1;
	v3 =	vmin.u32 v3, $0x10;
	v1 =	vadd.s32 v7, v4  }
0x3d: {  	[tilespmem:$0x210] =	vst v2;
	v2 =	vmin.u32 v43, $0x10;
	v1 =	vadd.s32 v3, v1;
	v3 =	vadd.s32 v46, v47  }
0x3e: {  	[tilespmem:$0x220] =	vst v1;
	v1 =	vadd.s32 v2, v3  }
0x3f: {  	s30 =	rddreg [dreg:$0xf];
	[tilespmem:$0x230] =	vst v1  }
0x40: {  	[tilespmem:s7], [sflag:$0x1] =	stream.indirect.gather [spmem:s1], $0x80, s30, s6, $0xb8;
	[tilespmem:$0x106D8] =	vst v63  }
0x41: {  	v1 =	vld [tilespmem:$0x40];
	_ =	sdelay $0x1  }
0x42: {  	v2 =	vld [tilespmem:$0x50]  }
0x43: {  	v51 =	vld [tilespmem:$0x60]  }
0x44: {  	v55 =	vld [tilespmem:$0x70]  }
0x45: {  	vm12 =	vgt.s32 v1, $0x0  }
0x46: {  	v3 =	vadd.s32 $0xFFFFFFF7, v1;
	vm14 =	vgt.s32 v1, $0x1D;
	vm15 =	vgt.s32 v1, $0x22  }
0x47: {  	vm4 =	vgt.s32 v2, $0x0;
	v50 =	vadd.s32 $0xFFFFFFF7, v2;
	vm6 =	vgt.s32 v2, $0x1D  }
0x48: {  	vm7 =	vgt.s32 v2, $0x22;
	vm8 =	vgt.s32 v51, $0x0;
	vm10 =	vgt.s32 v51, $0x1D  }
0x49: {  	vm11 =	vgt.s32 v51, $0x22;
	v59 =	vadd.s32 $0xFFFFFFF7, v55;
	v48 =	vnsel vm12, $0x0, v1  }
0x4a: {  	vm13 =	vgt.s32 v3, $0x0;
	v49 =	vsel vm14, $0x1, v0;
	v1 =	vsel vm15, $0x1, v0  }
0x4b: {  	v52 =	vnsel vm4, $0x0, v2;
	vm5 =	vgt.s32 v50, $0x0;
	v54 =	vsel vm7, $0x1, v0  }
0x4c: {  	v56 =	vnsel vm8, $0x0, v51;
	v58 =	vsel vm10, $0x1, v0;
	v7 =	vsel vm11, $0x1, v0  }
0x4d: {  	vm12 =	vgt.s32 v55, $0x0;
	vm14 =	vgt.s32 v55, $0x1D;
	vm15 =	vgt.s32 v55, $0x22  }
0x4e: {  	v4 =	vmin.u32 v48, $0x8;
	v3 =	vnsel vm13, $0x0, v3;
	v53 =	vnsel vm5, $0x0, v50  }
0x4f: {  	v2 =	vmin.u32 v52, $0x8;
	v57 =	vmin.u32 v56, $0x8;
	v60 =	vnsel vm12, $0x0, v55  }
0x50: {  	vm13 =	vgt.s32 v59, $0x0;
	v63 =	vsel vm14, $0x1, v0;
	v4 =	vadd.s32 v49, v4  }
0x51: {  	v12 =	vsel vm15, $0x1, v0;
	v3 =	vmin.u32 v3, $0x10;
	v1 =	vadd.s32 v1, v4  }
0x52: {  	v61 =	vnsel vm13, $0x0, v59;
	v1 =	vadd.s32 v3, v1;
	v3 =	vsel vm6, $0x1, v0  }
0x53: {  	v62 =	vmin.u32 v60, $0x8;
	v2 =	vadd.s32 v3, v2;
	v3 =	vadd.s32 $0xFFFFFFF7, v51  }
0x54: {  	v4 =	vmin.u32 v53, $0x10;
	v2 =	vadd.s32 v54, v2;
	vm9 =	vgt.s32 v3, $0x0  }
0x55: {  	v2 =	vadd.s32 v4, v2;
	v3 =	vnsel vm9, $0x0, v3;
	v4 =	vadd.s32 v58, v57  }
0x56: {  	v13 =	vadd.s32 v63, v62;
	[tilespmem:$0x280] =	vst v1;
	v3 =	vmin.u32 v3, $0x10;
	v1 =	vadd.s32 v7, v4  }
0x57: {  	[tilespmem:$0x290] =	vst v2;
	v2 =	vmin.u32 v61, $0x10;
	v1 =	vadd.s32 v3, v1;
	v3 =	vadd.s32 v12, v13  }
0x58: {  	[tilespmem:$0x2A0] =	vst v1;
	v1 =	vadd.s32 v2, v3  }
0x59: {  	s31 =	rddreg [dreg:$0x10];
	[tilespmem:$0x2B0] =	vst v1  }
0x5a: {  	[tilespmem:s8], [sflag:$0x2] =	stream.indirect.gather [spmem:s1], $0x80, s31, s6, $0xb8;
	[tilespmem:$0x106D8] =	vst v63  }
0x5b: {  	_ =	swait.ge [sflag:s9], $0x2000  }
0x5c: {  	[sflag:s9] =	ssyncset.done $0x0  }
0x5d: {  	[sflag:s9] =	ssyncadd.s32 $0xFFFFE000  }
0x5e: {  	[hbm4b:s3+s2] =	stream.linear.scatter [tilespmem:s7], [sflag:$0xA], $0x2000, $0x38;
	[tilespmem:$0x106D8] =	vst v63  }
0x5f: {  	v1 =	vld [tilespmem:$0x80];
	_ =	sdelay $0x1  }
0x60: {  	v2 =	vld [tilespmem:$0x90]  }
0x61: {  	v17 =	vld [tilespmem:$0xA0]  }
0x62: {  	v21 =	vld [tilespmem:$0xB0]  }
0x63: {  	vm4 =	vgt.s32 v1, $0x0  }
0x64: {  	v3 =	vadd.s32 $0xFFFFFFF7, v1;
	vm6 =	vgt.s32 v1, $0x1D;
	vm7 =	vgt.s32 v1, $0x22  }
0x65: {  	vm8 =	vgt.s32 v2, $0x0;
	v16 =	vadd.s32 $0xFFFFFFF7, v2;
	vm10 =	vgt.s32 v2, $0x1D  }
0x66: {  	vm11 =	vgt.s32 v2, $0x22;
	vm12 =	vgt.s32 v17, $0x0;
	vm14 =	vgt.s32 v17, $0x1D  }
0x67: {  	vm15 =	vgt.s32 v17, $0x22;
	v25 =	vadd.s32 $0xFFFFFFF7, v21;
	v14 =	vnsel vm4, $0x0, v1  }
0x68: {  	vm5 =	vgt.s32 v3, $0x0;
	v15 =	vsel vm6, $0x1, v0;
	v1 =	vsel vm7, $0x1, v0  }
0x69: {  	v18 =	vnsel vm8, $0x0, v2;
	vm9 =	vgt.s32 v16, $0x0;
	v20 =	vsel vm11, $0x1, v0  }
0x6a: {  	v22 =	vnsel vm12, $0x0, v17;
	v24 =	vsel vm14, $0x1, v0;
	v7 =	vsel vm15, $0x1, v0  }
0x6b: {  	vm4 =	vgt.s32 v21, $0x0;
	vm6 =	vgt.s32 v21, $0x1D;
	vm7 =	vgt.s32 v21, $0x22  }
0x6c: {  	v4 =	vmin.u32 v14, $0x8;
	v3 =	vnsel vm5, $0x0, v3;
	v19 =	vnsel vm9, $0x0, v16  }
0x6d: {  	v2 =	vmin.u32 v18, $0x8;
	v23 =	vmin.u32 v22, $0x8;
	v26 =	vnsel vm4, $0x0, v21  }
0x6e: {  	vm5 =	vgt.s32 v25, $0x0;
	v29 =	vsel vm6, $0x1, v0;
	v4 =	vadd.s32 v15, v4  }
0x6f: {  	v30 =	vsel vm7, $0x1, v0;
	v3 =	vmin.u32 v3, $0x10;
	v1 =	vadd.s32 v1, v4  }
0x70: {  	v27 =	vnsel vm5, $0x0, v25;
	v1 =	vadd.s32 v3, v1;
	v3 =	vsel vm10, $0x1, v0  }
0x71: {  	v28 =	vmin.u32 v26, $0x8;
	v2 =	vadd.s32 v3, v2;
	v3 =	vadd.s32 $0xFFFFFFF7, v17  }
0x72: {  	v4 =	vmin.u32 v19, $0x10;
	v2 =	vadd.s32 v20, v2;
	vm13 =	vgt.s32 v3, $0x0  }
0x73: {  	v2 =	vadd.s32 v4, v2;
	v3 =	vnsel vm13, $0x0, v3;
	v4 =	vadd.s32 v24, v23  }
0x74: {  	v31 =	vadd.s32 v29, v28;
	[tilespmem:$0x300] =	vst v1;
	v3 =	vmin.u32 v3, $0x10;
	v1 =	vadd.s32 v7, v4  }
0x75: {  	[tilespmem:$0x310] =	vst v2;
	v2 =	vmin.u32 v27, $0x10;
	v1 =	vadd.s32 v3, v1;
	v3 =	vadd.s32 v30, v31  }
0x76: {  	[tilespmem:$0x320] =	vst v1;
	v1 =	vadd.s32 v2, v3  }
0x77: {  	s30 =	rddreg [dreg:$0x11];
	[tilespmem:$0x330] =	vst v1  }
0x78: {  	[tilespmem:s10], [sflag:$0x3] =	stream.indirect.gather [spmem:s1], $0x80, s30, s6, $0xb8;
	[tilespmem:$0x106D8] =	vst v63  }
0x79: {  	_ =	swait.ge [sflag:s11], $0x2000  }
0x7a: {  	[sflag:s11] =	ssyncset.done $0x0  }
0x7b: {  	s31 =	rddreg [dreg:$0x7];
	[sflag:s11] =	ssyncadd.s32 $0xFFFFE000  }
0x7c: {  	[hbm4b:s31+s2] =	stream.linear.scatter [tilespmem:s8], [sflag:$0xA], $0x2000, $0x38;
	[tilespmem:$0x106D8] =	vst v63  }
0x7d: {  	v1 =	vld [tilespmem:$0xC0];
	_ =	sdelay $0x1  }
0x7e: {  	v2 =	vld [tilespmem:$0xD0]  }
0x7f: {  	v35 =	vld [tilespmem:$0xE0]  }
0x80: {  	v39 =	vld [tilespmem:$0xF0]  }
0x81: {  	vm8 =	vgt.s32 v1, $0x0  }
0x82: {  	v3 =	vadd.s32 $0xFFFFFFF7, v1;
	vm10 =	vgt.s32 v1, $0x1D;
	vm11 =	vgt.s32 v1, $0x22  }
0x83: {  	vm12 =	vgt.s32 v2, $0x0;
	v34 =	vadd.s32 $0xFFFFFFF7, v2;
	vm14 =	vgt.s32 v2, $0x1D  }
0x84: {  	vm15 =	vgt.s32 v2, $0x22;
	vm4 =	vgt.s32 v35, $0x0;
	vm6 =	vgt.s32 v35, $0x1D  }
0x85: {  	vm7 =	vgt.s32 v35, $0x22;
	v43 =	vadd.s32 $0xFFFFFFF7, v39;
	v32 =	vnsel vm8, $0x0, v1  }
0x86: {  	vm9 =	vgt.s32 v3, $0x0;
	v33 =	vsel vm10, $0x1, v0;
	v1 =	vsel vm11, $0x1, v0  }
0x87: {  	v36 =	vnsel vm12, $0x0, v2;
	vm13 =	vgt.s32 v34, $0x0;
	v38 =	vsel vm15, $0x1, v0  }
0x88: {  	v40 =	vnsel vm4, $0x0, v35;
	v42 =	vsel vm6, $0x1, v0;
	v7 =	vsel vm7, $0x1, v0  }
0x89: {  	vm8 =	vgt.s32 v39, $0x0;
	vm10 =	vgt.s32 v39, $0x1D;
	vm11 =	vgt.s32 v39, $0x22  }
0x8a: {  	v4 =	vmin.u32 v32, $0x8;
	v3 =	vnsel vm9, $0x0, v3;
	v37 =	vnsel vm13, $0x0, v34  }
0x8b: {  	v2 =	vmin.u32 v36, $0x8;
	v41 =	vmin.u32 v40, $0x8;
	v44 =	vnsel vm8, $0x0, v39  }
0x8c: {  	vm9 =	vgt.s32 v43, $0x0;
	v47 =	vsel vm10, $0x1, v0;
	v4 =	vadd.s32 v33, v4  }
0x8d: {  	v48 =	vsel vm11, $0x1, v0;
	v3 =	vmin.u32 v3, $0x10;
	v1 =	vadd.s32 v1, v4  }
0x8e: {  	v45 =	vnsel vm9, $0x0, v43;
	v1 =	vadd.s32 v3, v1;
	v3 =	vsel vm14, $0x1, v0  }
0x8f: {  	v46 =	vmin.u32 v44, $0x8;
	v2 =	vadd.s32 v3, v2;
	v3 =	vadd.s32 $0xFFFFFFF7, v35  }
0x90: {  	v4 =	vmin.u32 v37, $0x10;
	v2 =	vadd.s32 v38, v2;
	vm5 =	vgt.s32 v3, $0x0  }
0x91: {  	v2 =	vadd.s32 v4, v2;
	v3 =	vnsel vm5, $0x0, v3;
	v4 =	vadd.s32 v42, v41  }
0x92: {  	v49 =	vadd.s32 v47, v46;
	[tilespmem:$0x380] =	vst v1;
	v3 =	vmin.u32 v3, $0x10;
	v1 =	vadd.s32 v7, v4  }
0x93: {  	[tilespmem:$0x390] =	vst v2;
	v2 =	vmin.u32 v45, $0x10;
	v1 =	vadd.s32 v3, v1;
	v3 =	vadd.s32 v48, v49  }
0x94: {  	[tilespmem:$0x3A0] =	vst v1;
	v1 =	vadd.s32 v2, v3  }
0x95: {  	[tilespmem:$0x3B0] =	vst v1  }
0x96: {  	[tilespmem:s13], [sflag:$0x4] =	stream.indirect.gather [spmem:s1], $0x80, s12, s6, $0xb8;
	[tilespmem:$0x106D8] =	vst v63  }
0x97: {  	_ =	swait.ge [sflag:s14], $0x2000  }
0x98: {  	[sflag:s14] =	ssyncset.done $0x0  }
0x99: {  	s30 =	rddreg [dreg:$0x8];
	[sflag:s14] =	ssyncadd.s32 $0xFFFFE000  }
0x9a: {  	[hbm4b:s30+s2] =	stream.linear.scatter [tilespmem:s10], [sflag:$0xA], $0x2000, $0x38;
	[tilespmem:$0x106D8] =	vst v63  }
0x9b: {  	v1 =	vld [tilespmem:$0x100];
	_ =	sdelay $0x1  }
0x9c: {  	v2 =	vld [tilespmem:$0x110]  }
0x9d: {  	v53 =	vld [tilespmem:$0x120]  }
0x9e: {  	v57 =	vld [tilespmem:$0x130]  }
0x9f: {  	vm12 =	vgt.s32 v1, $0x0  }
0xa0: {  	v3 =	vadd.s32 $0xFFFFFFF7, v1;
	vm14 =	vgt.s32 v1, $0x1D;
	vm15 =	vgt.s32 v1, $0x22  }
0xa1: {  	vm4 =	vgt.s32 v2, $0x0;
	v52 =	vadd.s32 $0xFFFFFFF7, v2;
	vm6 =	vgt.s32 v2, $0x1D  }
0xa2: {  	vm7 =	vgt.s32 v2, $0x22;
	vm8 =	vgt.s32 v53, $0x0;
	vm10 =	vgt.s32 v53, $0x1D  }
0xa3: {  	vm11 =	vgt.s32 v53, $0x22;
	v61 =	vadd.s32 $0xFFFFFFF7, v57;
	v50 =	vnsel vm12, $0x0, v1  }
0xa4: {  	vm13 =	vgt.s32 v3, $0x0;
	v51 =	vsel vm14, $0x1, v0;
	v1 =	vsel vm15, $0x1, v0  }
0xa5: {  	v54 =	vnsel vm4, $0x0, v2;
	vm5 =	vgt.s32 v52, $0x0;
	v56 =	vsel vm7, $0x1, v0  }
0xa6: {  	v58 =	vnsel vm8, $0x0, v53;
	v60 =	vsel vm10, $0x1, v0;
	v7 =	vsel vm11, $0x1, v0  }
0xa7: {  	vm12 =	vgt.s32 v57, $0x0;
	vm14 =	vgt.s32 v57, $0x1D;
	vm15 =	vgt.s32 v57, $0x22  }
0xa8: {  	v4 =	vmin.u32 v50, $0x8;
	v3 =	vnsel vm13, $0x0, v3;
	v55 =	vnsel vm5, $0x0, v52  }
0xa9: {  	v2 =	vmin.u32 v54, $0x8;
	v59 =	vmin.u32 v58, $0x8;
	v62 =	vnsel vm12, $0x0, v57  }
0xaa: {  	vm13 =	vgt.s32 v61, $0x0;
	v13 =	vsel vm14, $0x1, v0;
	v4 =	vadd.s32 v51, v4  }
0xab: {  	v14 =	vsel vm15, $0x1, v0;
	v3 =	vmin.u32 v3, $0x10;
	v1 =	vadd.s32 v1, v4  }
0xac: {  	v63 =	vnsel vm13, $0x0, v61;
	v1 =	vadd.s32 v3, v1;
	v3 =	vsel vm6, $0x1, v0  }
0xad: {  	v12 =	vmin.u32 v62, $0x8;
	v2 =	vadd.s32 v3, v2;
	v3 =	vadd.s32 $0xFFFFFFF7, v53  }
0xae: {  	v4 =	vmin.u32 v55, $0x10;
	v2 =	vadd.s32 v56, v2;
	vm9 =	vgt.s32 v3, $0x0  }
0xaf: {  	v2 =	vadd.s32 v4, v2;
	v3 =	vnsel vm9, $0x0, v3;
	v4 =	vadd.s32 v60, v59  }
0xb0: {  	v15 =	vadd.s32 v13, v12;
	[tilespmem:$0x400] =	vst v1;
	v3 =	vmin.u32 v3, $0x10;
	v1 =	vadd.s32 v7, v4  }
0xb1: {  	[tilespmem:$0x410] =	vst v2;
	v2 =	vmin.u32 v63, $0x10;
	v1 =	vadd.s32 v3, v1;
	v3 =	vadd.s32 v14, v15  }
0xb2: {  	[tilespmem:$0x420] =	vst v1;
	v1 =	vadd.s32 v2, v3  }
0xb3: {  	[tilespmem:$0x430] =	vst v1  }
0xb4: {  	[tilespmem:s16], [sflag:$0x5] =	stream.indirect.gather [spmem:s1], $0x80, s15, s6, $0xb8;
	[tilespmem:$0x106D8] =	vst v63  }
0xb5: {  	_ =	swait.ge [sflag:s17], $0x2000  }
0xb6: {  	[sflag:s17] =	ssyncset.done $0x0  }
0xb7: {  	s31 =	rddreg [dreg:$0x9];
	[sflag:s17] =	ssyncadd.s32 $0xFFFFE000  }
0xb8: {  	[hbm4b:s31+s2] =	stream.linear.scatter [tilespmem:s13], [sflag:$0xA], $0x2000, $0x38;
	[tilespmem:$0x106D8] =	vst v63  }
0xb9: {  	v1 =	vld [tilespmem:$0x140];
	_ =	sdelay $0x1  }
0xba: {  	v2 =	vld [tilespmem:$0x150]  }
0xbb: {  	v19 =	vld [tilespmem:$0x160]  }
0xbc: {  	v23 =	vld [tilespmem:$0x170]  }
0xbd: {  	vm4 =	vgt.s32 v1, $0x0  }
0xbe: {  	v3 =	vadd.s32 $0xFFFFFFF7, v1;
	vm6 =	vgt.s32 v1, $0x1D;
	vm7 =	vgt.s32 v1, $0x22  }
0xbf: {  	vm8 =	vgt.s32 v2, $0x0;
	v18 =	vadd.s32 $0xFFFFFFF7, v2;
	vm10 =	vgt.s32 v2, $0x1D  }
0xc0: {  	vm11 =	vgt.s32 v2, $0x22;
	vm12 =	vgt.s32 v19, $0x0;
	vm14 =	vgt.s32 v19, $0x1D  }
0xc1: {  	vm15 =	vgt.s32 v19, $0x22;
	v27 =	vadd.s32 $0xFFFFFFF7, v23;
	v16 =	vnsel vm4, $0x0, v1  }
0xc2: {  	vm5 =	vgt.s32 v3, $0x0;
	v17 =	vsel vm6, $0x1, v0;
	v1 =	vsel vm7, $0x1, v0  }
0xc3: {  	v20 =	vnsel vm8, $0x0, v2;
	vm9 =	vgt.s32 v18, $0x0;
	v22 =	vsel vm11, $0x1, v0  }
0xc4: {  	v24 =	vnsel vm12, $0x0, v19;
	v26 =	vsel vm14, $0x1, v0;
	v7 =	vsel vm15, $0x1, v0  }
0xc5: {  	vm4 =	vgt.s32 v23, $0x0;
	vm6 =	vgt.s32 v23, $0x1D;
	vm7 =	vgt.s32 v23, $0x22  }
0xc6: {  	v4 =	vmin.u32 v16, $0x8;
	v3 =	vnsel vm5, $0x0, v3;
	v21 =	vnsel vm9, $0x0, v18  }
0xc7: {  	v2 =	vmin.u32 v20, $0x8;
	v25 =	vmin.u32 v24, $0x8;
	v28 =	vnsel vm4, $0x0, v23  }
0xc8: {  	vm5 =	vgt.s32 v27, $0x0;
	v31 =	vsel vm6, $0x1, v0;
	v4 =	vadd.s32 v17, v4  }
0xc9: {  	v32 =	vsel vm7, $0x1, v0;
	v3 =	vmin.u32 v3, $0x10;
	v1 =	vadd.s32 v1, v4  }
0xca: {  	v29 =	vnsel vm5, $0x0, v27;
	v1 =	vadd.s32 v3, v1;
	v3 =	vsel vm10, $0x1, v0  }
0xcb: {  	v30 =	vmin.u32 v28, $0x8;
	v2 =	vadd.s32 v3, v2;
	v3 =	vadd.s32 $0xFFFFFFF7, v19  }
0xcc: {  	v4 =	vmin.u32 v21, $0x10;
	v2 =	vadd.s32 v22, v2;
	vm13 =	vgt.s32 v3, $0x0  }
0xcd: {  	v2 =	vadd.s32 v4, v2;
	v3 =	vnsel vm13, $0x0, v3;
	v4 =	vadd.s32 v26, v25  }
0xce: {  	v33 =	vadd.s32 v31, v30;
	[tilespmem:$0x480] =	vst v1;
	v3 =	vmin.u32 v3, $0x10;
	v1 =	vadd.s32 v7, v4  }
0xcf: {  	[tilespmem:$0x490] =	vst v2;
	v2 =	vmin.u32 v29, $0x10;
	v1 =	vadd.s32 v3, v1;
	v3 =	vadd.s32 v32, v33  }
0xd0: {  	[tilespmem:$0x4A0] =	vst v1;
	v1 =	vadd.s32 v2, v3  }
0xd1: {  	[tilespmem:$0x4B0] =	vst v1  }
0xd2: {  	[tilespmem:s19], [sflag:$0x6] =	stream.indirect.gather [spmem:s1], $0x80, s18, s6, $0xb8;
	[tilespmem:$0x106D8] =	vst v63  }
0xd3: {  	_ =	swait.ge [sflag:s20], $0x2000  }
0xd4: {  	[sflag:s20] =	ssyncset.done $0x0  }
0xd5: {  	s30 =	rddreg [dreg:$0xa];
	[sflag:s20] =	ssyncadd.s32 $0xFFFFE000  }
0xd6: {  	[hbm4b:s30+s2] =	stream.linear.scatter [tilespmem:s16], [sflag:$0xA], $0x2000, $0x38;
	[tilespmem:$0x106D8] =	vst v63  }
0xd7: {  	v1 =	vld [tilespmem:$0x180];
	_ =	sdelay $0x1  }
0xd8: {  	v2 =	vld [tilespmem:$0x190];
	_ =	sdelay $0x2  }
0xd9: {  	vm8 =	vgt.s32 v1, $0x0  }
0xda: {  	v3 =	vadd.s32 $0xFFFFFFF7, v1;
	vm10 =	vgt.s32 v1, $0x1D;
	vm11 =	vgt.s32 v1, $0x22  }
0xdb: {  	vm12 =	vgt.s32 v2, $0x0;
	v37 =	vadd.s32 $0xFFFFFFF7, v2;
	vm14 =	vgt.s32 v2, $0x1D  }
0xdc: {  	vm15 =	vgt.s32 v2, $0x22;
	v34 =	vnsel vm8, $0x0, v1;
	vm9 =	vgt.s32 v3, $0x0  }
0xdd: {  	v35 =	vsel vm10, $0x1, v0;
	v1 =	vld [tilespmem:$0x1A0];
	v36 =	vsel vm11, $0x1, v0;
	v38 =	vnsel vm12, $0x0, v2  }
0xde: {  	vm13 =	vgt.s32 v37, $0x0;
	v40 =	vsel vm14, $0x1, v0;
	v2 =	vld [tilespmem:$0x1B0];
	v4 =	vmin.u32 v34, $0x8  }
0xdf: {  	v41 =	vsel vm15, $0x1, v0;
	v3 =	vnsel vm9, $0x0, v3;
	v4 =	vadd.s32 v35, v4  }
0xe0: {  	v39 =	vnsel vm13, $0x0, v37;
	v3 =	vmin.u32 v3, $0x10;
	v4 =	vadd.s32 v36, v4  }
0xe1: {  	v5 =	vmin.u32 v38, $0x8;
	v6 =	vmin.u32 v39, $0x10;
	v3 =	vadd.s32 v3, v4  }
0xe2: {  	v4 =	vadd.s32 v40, v5;
	vm4 =	vgt.s32 v1, $0x0;
	v42 =	vadd.s32 $0xFFFFFFF7, v1  }
0xe3: {  	vm6 =	vgt.s32 v1, $0x1D;
	vm7 =	vgt.s32 v1, $0x22;
	vm8 =	vgt.s32 v2, $0x0  }
0xe4: {  	v10 =	vadd.s32 $0xFFFFFFF7, v2;
	v4 =	vadd.s32 v41, v4;
	vm10 =	vgt.s32 v2, $0x1D  }
0xe5: {  	vm11 =	vgt.s32 v2, $0x22;
	v43 =	vnsel vm4, $0x0, v1;
	vm5 =	vgt.s32 v42, $0x0  }
0xe6: {  	v44 =	vsel vm6, $0x1, v0;
	v1 =	vsel vm7, $0x1, v0;
	v45 =	vnsel vm8, $0x0, v2  }
0xe7: {  	vm9 =	vgt.s32 v10, $0x0;
	v4 =	vadd.s32 v6, v4;
	v46 =	vsel vm10, $0x1, v0  }
0xe8: {  	[tilespmem:$0x500] =	vst v3;
	v3 =	vsel vm11, $0x1, v0;
	v8 =	vnsel vm5, $0x0, v42;
	v9 =	vmin.u32 v43, $0x8  }
0xe9: {  	v10 =	vnsel vm9, $0x0, v10;
	v7 =	vmin.u32 v45, $0x8;
	v5 =	vadd.s32 v44, v9  }
0xea: {  	v2 =	vmin.u32 v8, $0x10;
	v47 =	vadd.s32 v46, v7;
	v1 =	vadd.s32 v1, v5  }
0xeb: {  	[tilespmem:$0x510] =	vst v4;
	v3 =	vadd.s32 v3, v47;
	v1 =	vadd.s32 v2, v1;
	v2 =	vmin.u32 v10, $0x10  }
0xec: {  	[tilespmem:$0x520] =	vst v1;
	v1 =	vadd.s32 v2, v3  }
0xed: {  	[tilespmem:$0x530] =	vst v1  }
0xee: {  	[tilespmem:s22], [sflag:$0x7] =	stream.indirect.gather [spmem:s1], $0x80, s21, s6, $0xb8;
	[tilespmem:$0x106D8] =	vst v63  }
0xef: {  	_ =	swait.ge [sflag:s23], $0x2000  }
0xf0: {  	[sflag:s23] =	ssyncset.done $0x0  }
0xf1: {  	s31 =	rddreg [dreg:$0xb];
	[sflag:s23] =	ssyncadd.s32 $0xFFFFE000  }
0xf2: {  	[hbm4b:s31+s2] =	stream.linear.scatter [tilespmem:s19], [sflag:$0xA], $0x2000, $0x38;
	[tilespmem:$0x106D8] =	vst v63  }
0xf3: {  	v1 =	vld [tilespmem:$0x1C0];
	_ =	sdelay $0x1  }
0xf4: {  	v2 =	vld [tilespmem:$0x1D0]  }
0xf5: {  	v51 =	vld [tilespmem:$0x1E0]  }
0xf6: {  	v55 =	vld [tilespmem:$0x1F0]  }
0xf7: {  	vm12 =	vgt.s32 v1, $0x0  }
0xf8: {  	v3 =	vadd.s32 $0xFFFFFFF7, v1;
	vm14 =	vgt.s32 v1, $0x1D;
	vm15 =	vgt.s32 v1, $0x22  }
0xf9: {  	vm4 =	vgt.s32 v2, $0x0;
	v50 =	vadd.s32 $0xFFFFFFF7, v2;
	vm6 =	vgt.s32 v2, $0x1D  }
0xfa: {  	vm7 =	vgt.s32 v2, $0x22;
	vm8 =	vgt.s32 v51, $0x0;
	vm10 =	vgt.s32 v51, $0x1D  }
0xfb: {  	vm11 =	vgt.s32 v51, $0x22;
	v59 =	vadd.s32 $0xFFFFFFF7, v55;
	v48 =	vnsel vm12, $0x0, v1  }
0xfc: {  	vm13 =	vgt.s32 v3, $0x0;
	v49 =	vsel vm14, $0x1, v0;
	v1 =	vsel vm15, $0x1, v0  }
0xfd: {  	v52 =	vnsel vm4, $0x0, v2;
	vm5 =	vgt.s32 v50, $0x0;
	v54 =	vsel vm7, $0x1, v0  }
0xfe: {  	v56 =	vnsel vm8, $0x0, v51;
	v58 =	vsel vm10, $0x1, v0;
	v7 =	vsel vm11, $0x1, v0  }
0xff: {  	vm12 =	vgt.s32 v55, $0x0;
	vm14 =	vgt.s32 v55, $0x1D;
	vm15 =	vgt.s32 v55, $0x22  }
0x100: {  	v4 =	vmin.u32 v48, $0x8;
	v3 =	vnsel vm13, $0x0, v3;
	v53 =	vnsel vm5, $0x0, v50  }
0x101: {  	v2 =	vmin.u32 v52, $0x8;
	v57 =	vmin.u32 v56, $0x8;
	v60 =	vnsel vm12, $0x0, v55  }
0x102: {  	vm13 =	vgt.s32 v59, $0x0;
	v62 =	vsel vm14, $0x1, v0;
	v4 =	vadd.s32 v49, v4  }
0x103: {  	v63 =	vsel vm15, $0x1, v0;
	v3 =	vmin.u32 v3, $0x10;
	v1 =	vadd.s32 v1, v4  }
0x104: {  	v61 =	vnsel vm13, $0x0, v59;
	v1 =	vadd.s32 v3, v1;
	v3 =	vsel vm6, $0x1, v0  }
0x105: {  	v5 =	vmin.u32 v60, $0x8;
	v2 =	vadd.s32 v3, v2;
	v3 =	vadd.s32 $0xFFFFFFF7, v51  }
0x106: {  	v4 =	vmin.u32 v53, $0x10;
	v2 =	vadd.s32 v54, v2;
	vm9 =	vgt.s32 v3, $0x0  }
0x107: {  	v2 =	vadd.s32 v4, v2;
	v3 =	vnsel vm9, $0x0, v3;
	v4 =	vadd.s32 v58, v57  }
0x108: {  	[tilespmem:$0x580] =	vst v1;
	v1 =	vadd.s32 v62, v5;
	v4 =	vadd.s32 v7, v4;
	v3 =	vmin.u32 v3, $0x10  }
0x109: {  	v1 =	vadd.s32 v63, v1;
	[tilespmem:$0x590] =	vst v2;
	v2 =	vadd.s32 v3, v4;
	v3 =	vmin.u32 v61, $0x10  }
0x10a: {  	[tilespmem:$0x5A0] =	vst v2;
	v1 =	vadd.s32 v3, v1  }
0x10b: {  	[tilespmem:$0x5B0] =	vst v1  }
0x10c: {  	[tilespmem:s25], [sflag:$0x8] =	stream.indirect.gather [spmem:s1], $0x80, s24, s6, $0xb8;
	[tilespmem:$0x106D8] =	vst v63  }
0x10d: {  	_ =	swait.ge [sflag:s26], $0x2000  }
0x10e: {  	[sflag:s26] =	ssyncset.done $0x0  }
0x10f: {  	s30 =	rddreg [dreg:$0xc];
	[sflag:s26] =	ssyncadd.s32 $0xFFFFE000  }
0x110: {  	[hbm4b:s30+s2] =	stream.linear.scatter [tilespmem:s22], [sflag:$0xA], $0x2000, $0x38;
	[tilespmem:$0x106D8] =	vst v63  }
0x111: {  	_ =	swait.ge [sflag:s28], $0x2000  }
0x112: {  	[sflag:s28] =	ssyncset.done $0x0  }
0x113: {  	s31 =	rddreg [dreg:$0xd];
	[sflag:s28] =	ssyncadd.s32 $0xFFFFE000  }
0x114: {  	[hbm4b:s31+s2] =	stream.linear.scatter [tilespmem:s25], [sflag:$0xA], $0x2000, $0x38;
	[tilespmem:$0x106D8] =	vst v63  }
0x115: {  	_ =	swait.ge [sflag:s29], $0x2000  }
0x116: {  	[sflag:s29] =	ssyncset.done $0x0  }
0x117: {  	[sflag:s29] =	ssyncadd.s32 $0xFFFFE000  }
0x118: {  	_ =	swait.ge [sflag:s29], $0x2000  }
0x119: {  	[sflag:s29] =	ssyncset.done $0x0  }
0x11a: {  	[sflag:s29] =	ssyncadd.s32 $0xFFFFE000  }
0x11b: {  	_ =	swait.ge [sflag:s29], $0x2000  }
0x11c: {  	[sflag:s29] =	ssyncset.done $0x0  }
0x11d: {  	[sflag:s29] =	ssyncadd.s32 $0xFFFFE000  }
0x11e: {  	_ =	swait.ge [sflag:s29], $0x2000  }
0x11f: {  	[sflag:s29] =	ssyncset.done $0x0  }
0x120: {  	[sflag:s29] =	ssyncadd.s32 $0xFFFFE000  }
0x121: {  	_ =	swait.ge [sflag:s29], $0x2000  }
0x122: {  	[sflag:s29] =	ssyncset.done $0x0  }
0x123: {  	[sflag:s29] =	ssyncadd.s32 $0xFFFFE000  }
0x124: {  	_ =	swait.ge [sflag:s29], $0x2000  }
0x125: {  	[sflag:s29] =	ssyncset.done $0x0  }
0x126: {  	s4 =	sadd.s32 $0xFFFFFFFF, s4;
	[sflag:s29] =	ssyncadd.s32 $0xFFFFE000  }
0x127: {  	p1 =	sne.s32 s4, $0x0;
	_ =	swait.ge [sflag:s29], $0x2000  }
.Ltmp0:
0x128: {  	[sflag:s29] =	ssyncset.done $0x0;
	(pc) =	sbr.rel @p1 .LBB2_1-.Ltmp0, $4  }
0x129: {  	[sflag:s29] =	ssyncadd.s32 $0xFFFFE000  }
0x12a: {  	_ =	swait.ge [sflag:s29], $0x2000  }
0x12b: {  	[sflag:s29] =	ssyncset.done $0x0  }
0x12c: {  	[sflag:s29] =	ssyncadd.s32 $0xFFFFE000  }
0x12d: {  	_ =	sfence.sel $0x180000  }
0x12e: {  	[bflag:$0x0] =	sbarrier.arrive $0xFFFF  }
0x12f: {  	_ =	strace $0x90000047  }
0x130: {  	[bflag:$0x2] =	sbarrier.arrive $0xFFFF  }
0x131: {  	s0 =	rddreg [dreg:$0x4]  }
0x132: {  	s0 =	sadd.s32 @!p0 $0x100000, s0  }
0x133: {  	[sflag:s0] =	ssyncadd.tile.s32 @!p0 $0x1;
	_ =	shalt  }
.Lfunc_end2:
_tile_overlayer_lowered:
.L_overlay_start_2:
0x134: {  	(tag) =	ssettag $0x2  }
0x135: {  	s0 =	rddreg [dreg:$0x0];
	s2 =	stileid.u32  }
0x136: {  	s1 =	rddreg [dreg:$0x1];
	p0 =	sne.s32 s2, $0x0  }
0x137: {  	s3 =	rddreg [dreg:$0x2];
	[bflag:$0x3] =	sbarrier.arrive $0xFFFF;
	s2 =	simm.s32 @!p0 $0x1C0B  }
0x138: {  	[timem:s3], [sflag:s2] =	dma.local @!p0 [hbm:s0], s1  }
0x139: {  	s0 =	simm.s32 @!p0 $0xB  }
0x13a: {  	_ =	swait.ge @!p0 [sflag:s0], s1  }
0x13b: {  	s1 =	ssub.s32 @!p0 $0x0, s1;
	[sflag:s0] =	ssyncset.done @!p0 $0x0  }
0x13c: {  	[sflag:s0] =	ssyncadd.s32 @!p0 s1  }
0x13d: {  	[bflag:$0x3] =	sbarrier.arrive $0xFFFF  }
0x13e: {  	_ =	shalt  }

</sc_bundles>
